<compile_context>
chip_gen: v7x
topology: tpu7x:2x2x1
jax: 0.10.2.dev20260603
libtpu: 0.0.44.dev20260713+nightly
codegen_flags: <defaults>
</compile_context>

<pallas_src>
import functools

import jax
import jax.numpy as jnp
from jax import lax
from jax.experimental import pallas as pl
from jax.experimental.pallas import tpu as pltpu
from jax.experimental.pallas import tpu_sc as plsc

H = 2048
E = 16
K = 2
CHUNK = 1024
T = 16384
NW = 32
TPT = T // NW
NG = TPT // 16


def _dense_body(x_ref, w_ref, pt_ref):
    logits = jnp.dot(x_ref[...], w_ref[...],
                     preferred_element_type=jnp.float32)
    lt = logits.T

    m = jnp.max(lt, axis=0, keepdims=True)
    e = jnp.exp(lt - m)
    s = jnp.sum(e, axis=0, keepdims=True)
    pt_ref[...] = e / s


def _dense_stage(x, W):
    return pl.pallas_call(
        _dense_body,
        grid=(T // CHUNK,),
        in_specs=[
            pl.BlockSpec((CHUNK, H), lambda i: (i, 0)),
            pl.BlockSpec((H, E), lambda i: (0, 0)),
        ],
        out_specs=pl.BlockSpec((E, CHUNK), lambda i: (0, i)),
        out_shape=jax.ShapeDtypeStruct((E, T), jnp.float32),
    )(x, W)


def _route_body(pt_hbm, w1_hbm, w2_hbm, i1_hbm, i2_hbm, acc_hbm,
                slab, w1v, w2v, i1v, i2v, acc2d, sem):
    wid = lax.axis_index("s") * 2 + lax.axis_index("c")
    base = wid * TPT
    pltpu.async_copy(pt_hbm.at[:, pl.ds(base, TPT)], slab, sem).wait()

    zeros = jnp.zeros((16,), jnp.float32)

    def group(g, carry):
        cnt, ps = carry
        tb = g * 16
        pv = [slab[e, pl.ds(tb, 16)] for e in range(E)]
        b = pv[0]
        bi = jnp.zeros((16,), jnp.int32)
        for e in range(1, E):
            c = pv[e] > b
            b = jnp.where(c, pv[e], b)
            bi = jnp.where(c, e, bi)
        s2 = jnp.full((16,), -jnp.inf, jnp.float32)
        si = jnp.zeros((16,), jnp.int32)
        for e in range(E):
            c = (pv[e] > s2) & (bi != e)
            s2 = jnp.where(c, pv[e], s2)
            si = jnp.where(c, e, si)
        tot = b + s2
        w1v[pl.ds(tb, 16)] = b / tot
        w2v[pl.ds(tb, 16)] = s2 / tot
        i1v[pl.ds(tb, 16)] = bi
        i2v[pl.ds(tb, 16)] = si
        one = jnp.float32(1.0)
        cnt = tuple(
            cnt[e]
            + jnp.where(bi == e, one, 0.0)
            + jnp.where(si == e, one, 0.0)
            for e in range(E))
        ps = tuple(ps[e] + pv[e] for e in range(E))
        return cnt, ps

    cnt, ps = lax.fori_loop(0, NG, group,
                            (tuple([zeros] * E), tuple([zeros] * E)))
    for e in range(E):
        acc2d[e, :] = cnt[e]
        acc2d[E + e, :] = ps[e]

    pltpu.sync_copy(w1v, w1_hbm.at[pl.ds(base, TPT)])
    pltpu.sync_copy(w2v, w2_hbm.at[pl.ds(base, TPT)])
    pltpu.sync_copy(i1v, i1_hbm.at[pl.ds(base, TPT)])
    pltpu.sync_copy(i2v, i2_hbm.at[pl.ds(base, TPT)])
    pltpu.sync_copy(acc2d, acc_hbm.at[wid])


_route_stage = functools.partial(
    pl.kernel,
    _route_body,
    out_type=[
        jax.ShapeDtypeStruct((T,), jnp.float32),
        jax.ShapeDtypeStruct((T,), jnp.float32),
        jax.ShapeDtypeStruct((T,), jnp.int32),
        jax.ShapeDtypeStruct((T,), jnp.int32),
        jax.ShapeDtypeStruct((NW, 2 * E, 16), jnp.float32),
    ],
    mesh=plsc.VectorSubcoreMesh(core_axis_name="c", subcore_axis_name="s"),
    scratch_types=[
        pltpu.VMEM((E, TPT), jnp.float32),
        pltpu.VMEM((TPT,), jnp.float32),
        pltpu.VMEM((TPT,), jnp.float32),
        pltpu.VMEM((TPT,), jnp.int32),
        pltpu.VMEM((TPT,), jnp.int32),
        pltpu.VMEM((2 * E, 16), jnp.float32),
        pltpu.SemaphoreType.DMA,
    ],
)()


def kernel(hidden_states, W):
    B, S, _ = hidden_states.shape
    x = hidden_states.reshape(T, H)
    pt = _dense_stage(x, W)
    w1, w2, i1, i2, acc = _route_stage(pt)
    top_k_weights = jnp.stack([w1, w2], axis=-1).reshape(B, S, K)
    top_k_indices = jnp.stack([i1, i2], axis=-1).reshape(B, S, K)
    cnt_tot = jnp.sum(acc[:, :E, :], axis=(0, 2))
    ps_tot = jnp.sum(acc[:, E:, :], axis=(0, 2))
    aux = jnp.sum(cnt_tot * ps_tot) * E / (T * T)
    return top_k_weights, top_k_indices, aux

# --- scband reference (transcript-rebuilt; emitter-appended) ---
"""Pipeline reference for scband-router-9981503996004 (READ-ONLY COPY).

The authoritative reference and input builder live on the scoring server;
editing this copy changes nothing except your own understanding.
"""

import jax, jax.numpy as jnp
import numpy as np

HIDDEN_DIM = 2048
NUM_EXPERTS = 16
TOP_K = 2
B = 4
S = 4096


def setup_inputs(seed: int = 0) -> dict:
    key = jax.random.key(seed)
    k1, k2 = jax.random.split(key)
    hidden_states = jax.random.normal(k1, (B, S, HIDDEN_DIM), dtype=jnp.float32)
    # nn.Linear(hidden_dim, num_experts, bias=False): weight [num_experts, hidden_dim],
    # stored here transposed as W [hidden_dim, num_experts] so logits = x @ W
    bound = 1.0 / np.sqrt(HIDDEN_DIM)
    W = jax.random.uniform(k2, (HIDDEN_DIM, NUM_EXPERTS), dtype=jnp.float32, minval=-bound, maxval=bound)
    return {"hidden_states": hidden_states, "W": W}


def reference(hidden_states, W):
    logits = hidden_states @ W                              # [B, S, E]
    probs = jax.nn.softmax(logits, axis=-1)                 # [B, S, E]
    top_k_weights, top_k_indices = jax.lax.top_k(probs, TOP_K)  # [B, S, K]
    top_k_weights = top_k_weights / jnp.sum(top_k_weights, axis=-1, keepdims=True)
    # Switch-Transformer style load balancing loss
    num_tokens = probs.shape[0] * probs.shape[1]
    one_hot = jax.nn.one_hot(top_k_indices, NUM_EXPERTS, dtype=jnp.float32).sum(axis=2)  # [B, S, E]
    tokens_per_expert = one_hot.sum(axis=(0, 1)) / num_tokens   # [E]
    avg_prob_per_expert = probs.mean(axis=(0, 1))               # [E]
    aux_loss = (tokens_per_expert * avg_prob_per_expert).sum() * NUM_EXPERTS
    return top_k_weights, top_k_indices, aux_loss

if __name__ == "__main__":
    import jax
    _d = setup_inputs()
    print(jax.jit(kernel)(*tuple(_d.values())))

</pallas_src>

<mosaic_0001>
#map = affine_map<(d0, d1) -> (0, 0)>
#map1 = affine_map<(d0, d1) -> (0)>
#map2 = affine_map<(d0, d1) -> (0, 0, 0)>
module attributes {stable_mosaic.version = 14 : i64} {
  func.func @_route_body(%arg0: i32, %arg1: i32, %arg2: memref<16x16384xf32, #tpu.memory_space<hbm>>, %arg3: memref<16384xf32, #tpu.memory_space<hbm>>, %arg4: memref<16384xf32, #tpu.memory_space<hbm>>, %arg5: memref<16384xi32, #tpu.memory_space<hbm>>, %arg6: memref<16384xi32, #tpu.memory_space<hbm>>, %arg7: memref<32x32x16xf32, #tpu.memory_space<hbm>>, %arg8: memref<16x512xf32, #tpu.memory_space<vmem>>, %arg9: memref<512xf32, #tpu.memory_space<vmem>>, %arg10: memref<512xf32, #tpu.memory_space<vmem>>, %arg11: memref<512xi32, #tpu.memory_space<vmem>>, %arg12: memref<512xi32, #tpu.memory_space<vmem>>, %arg13: memref<32x16xf32, #tpu.memory_space<vmem>>, %arg14: memref<!tpu.dma_semaphore, #tpu.memory_space<semaphore_mem>>) attributes {dimension_semantics = [#tpu.dimension_semantics<core_parallel>, #tpu.dimension_semantics<subcore_parallel>], iteration_bounds = array<i64: 2, 16>, scalar_prefetch = 0 : i64, scratch_operands = 7 : i64, tpu.core_type = #tpu.core_type<sc_vector_subcore>, window_params = [{transform_indices = #map}, {transform_indices = #map1}, {transform_indices = #map1}, {transform_indices = #map1}, {transform_indices = #map1}, {transform_indices = #map2}]} {
    %mul3A = arith.constant 2 : i32
    %mul3A_0 = arith.muli %arg1, %mul3A : i32
    %add3A = arith.addi %mul3A_0, %arg0 : i32
    %mul3A_1 = arith.constant 512 : i32
    %mul3A_2 = arith.muli %add3A, %mul3A_1 : i32
    %dma_start3A = arith.constant 0 : i32
    %dma_start3A_3 = tpu.memref_slice %arg2[%dma_start3A, %mul3A_2] : memref<16x16384xf32, #tpu.memory_space<hbm>> -> memref<16x512xf32, #tpu.memory_space<hbm>>
    %dma_start3A_4 = arith.constant 0 : i32
    %dma_start3A_5 = tpu.memref_slice %arg2[%dma_start3A_4, %mul3A_2] : memref<16x16384xf32, #tpu.memory_space<hbm>> -> memref<16x512xf32, #tpu.memory_space<hbm>>
    tpu.enqueue_dma source(%dma_start3A_5 : memref<16x512xf32, #tpu.memory_space<hbm>>) target(%arg8 : memref<16x512xf32, #tpu.memory_space<vmem>>) target_semaphore(%arg14 : memref<!tpu.dma_semaphore, #tpu.memory_space<semaphore_mem>>)
    %dma_wait3A = arith.constant 0 : i32
    %dma_wait3A_6 = tpu.memref_slice %arg2[%dma_wait3A, %mul3A_2] : memref<16x16384xf32, #tpu.memory_space<hbm>> -> memref<16x512xf32, #tpu.memory_space<hbm>>
    %dma_wait3A_7 = arith.constant 0 : i32
    %dma_wait3A_8 = tpu.memref_slice %arg2[%dma_wait3A_7, %mul3A_2] : memref<16x16384xf32, #tpu.memory_space<hbm>> -> memref<16x512xf32, #tpu.memory_space<hbm>>
    tpu.wait_dma2 semaphore(%arg14 : memref<!tpu.dma_semaphore, #tpu.memory_space<semaphore_mem>>) src(%dma_wait3A_8 : memref<16x512xf32, #tpu.memory_space<hbm>>) dst(%arg8 : memref<16x512xf32, #tpu.memory_space<vmem>>)
    %broadcast_in_dim3A = arith.constant 0.000000e+00 : f32
    %broadcast_in_dim3A_9 = vector.broadcast %broadcast_in_dim3A : f32 to vector<16xf32>
    %scan3A = arith.constant 0 : i32
    %scan3A_10 = arith.constant 32 : i32
    %scan3A_11 = arith.addi %scan3A, %scan3A_10 : i32
    %scan3A_12 = arith.constant 1 : i32
    %scan3A_13:32 = scf.for %scan3A_206 = %scan3A to %scan3A_11 step %scan3A_12 iter_args(%scan3A_207 = %broadcast_in_dim3A_9, %scan3A_208 = %broadcast_in_dim3A_9, %scan3A_209 = %broadcast_in_dim3A_9, %scan3A_210 = %broadcast_in_dim3A_9, %scan3A_211 = %broadcast_in_dim3A_9, %scan3A_212 = %broadcast_in_dim3A_9, %scan3A_213 = %broadcast_in_dim3A_9, %scan3A_214 = %broadcast_in_dim3A_9, %scan3A_215 = %broadcast_in_dim3A_9, %scan3A_216 = %broadcast_in_dim3A_9, %scan3A_217 = %broadcast_in_dim3A_9, %scan3A_218 = %broadcast_in_dim3A_9, %scan3A_219 = %broadcast_in_dim3A_9, %scan3A_220 = %broadcast_in_dim3A_9, %scan3A_221 = %broadcast_in_dim3A_9, %scan3A_222 = %broadcast_in_dim3A_9, %scan3A_223 = %broadcast_in_dim3A_9, %scan3A_224 = %broadcast_in_dim3A_9, %scan3A_225 = %broadcast_in_dim3A_9, %scan3A_226 = %broadcast_in_dim3A_9, %scan3A_227 = %broadcast_in_dim3A_9, %scan3A_228 = %broadcast_in_dim3A_9, %scan3A_229 = %broadcast_in_dim3A_9, %scan3A_230 = %broadcast_in_dim3A_9, %scan3A_231 = %broadcast_in_dim3A_9, %scan3A_232 = %broadcast_in_dim3A_9, %scan3A_233 = %broadcast_in_dim3A_9, %scan3A_234 = %broadcast_in_dim3A_9, %scan3A_235 = %broadcast_in_dim3A_9, %scan3A_236 = %broadcast_in_dim3A_9, %scan3A_237 = %broadcast_in_dim3A_9, %scan3A_238 = %broadcast_in_dim3A_9) -> (vector<16xf32>, vector<16xf32>, vector<16xf32>, vector<16xf32>, vector<16xf32>, vector<16xf32>, vector<16xf32>, vector<16xf32>, vector<16xf32>, vector<16xf32>, vector<16xf32>, vector<16xf32>, vector<16xf32>, vector<16xf32>, vector<16xf32>, vector<16xf32>, vector<16xf32>, vector<16xf32>, vector<16xf32>, vector<16xf32>, vector<16xf32>, vector<16xf32>, vector<16xf32>, vector<16xf32>, vector<16xf32>, vector<16xf32>, vector<16xf32>, vector<16xf32>, vector<16xf32>, vector<16xf32>, vector<16xf32>, vector<16xf32>)  : i32 {
      %mul3A_239 = arith.constant 16 : i32
      %mul3A_240 = arith.muli %scan3A_206, %mul3A_239 : i32
      %get3A = arith.constant 0 : i32
      %get3A_241 = arith.index_cast %get3A : i32 to index
      %get3A_242 = arith.index_cast %mul3A_240 : i32 to index
      %get3A_243 = tpu.vector_load %arg8[%get3A_241, %get3A_242] {strides = array<i32>} : memref<16x512xf32, #tpu.memory_space<vmem>>, vector<1x16xf32>,
      %get3A_244 = vector.shape_cast %get3A_243 : vector<1x16xf32> to vector<16xf32>
      %get3A_245 = arith.constant 1 : i32
      %get3A_246 = arith.index_cast %get3A_245 : i32 to index
      %get3A_247 = arith.index_cast %mul3A_240 : i32 to index
      %get3A_248 = tpu.vector_load %arg8[%get3A_246, %get3A_247] {strides = array<i32>} : memref<16x512xf32, #tpu.memory_space<vmem>>, vector<1x16xf32>,
      %get3A_249 = vector.shape_cast %get3A_248 : vector<1x16xf32> to vector<16xf32>
      %get3A_250 = arith.constant 2 : i32
      %get3A_251 = arith.index_cast %get3A_250 : i32 to index
      %get3A_252 = arith.index_cast %mul3A_240 : i32 to index
      %get3A_253 = tpu.vector_load %arg8[%get3A_251, %get3A_252] {strides = array<i32>} : memref<16x512xf32, #tpu.memory_space<vmem>>, vector<1x16xf32>,
      %get3A_254 = vector.shape_cast %get3A_253 : vector<1x16xf32> to vector<16xf32>
      %get3A_255 = arith.constant 3 : i32
      %get3A_256 = arith.index_cast %get3A_255 : i32 to index
      %get3A_257 = arith.index_cast %mul3A_240 : i32 to index
      %get3A_258 = tpu.vector_load %arg8[%get3A_256, %get3A_257] {strides = array<i32>} : memref<16x512xf32, #tpu.memory_space<vmem>>, vector<1x16xf32>,
      %get3A_259 = vector.shape_cast %get3A_258 : vector<1x16xf32> to vector<16xf32>
      %get3A_260 = arith.constant 4 : i32
      %get3A_261 = arith.index_cast %get3A_260 : i32 to index
      %get3A_262 = arith.index_cast %mul3A_240 : i32 to index
      %get3A_263 = tpu.vector_load %arg8[%get3A_261, %get3A_262] {strides = array<i32>} : memref<16x512xf32, #tpu.memory_space<vmem>>, vector<1x16xf32>,
      %get3A_264 = vector.shape_cast %get3A_263 : vector<1x16xf32> to vector<16xf32>
      %get3A_265 = arith.constant 5 : i32
      %get3A_266 = arith.index_cast %get3A_265 : i32 to index
      %get3A_267 = arith.index_cast %mul3A_240 : i32 to index
      %get3A_268 = tpu.vector_load %arg8[%get3A_266, %get3A_267] {strides = array<i32>} : memref<16x512xf32, #tpu.memory_space<vmem>>, vector<1x16xf32>,
      %get3A_269 = vector.shape_cast %get3A_268 : vector<1x16xf32> to vector<16xf32>
      %get3A_270 = arith.constant 6 : i32
      %get3A_271 = arith.index_cast %get3A_270 : i32 to index
      %get3A_272 = arith.index_cast %mul3A_240 : i32 to index
      %get3A_273 = tpu.vector_load %arg8[%get3A_271, %get3A_272] {strides = array<i32>} : memref<16x512xf32, #tpu.memory_space<vmem>>, vector<1x16xf32>,
      %get3A_274 = vector.shape_cast %get3A_273 : vector<1x16xf32> to vector<16xf32>
      %get3A_275 = arith.constant 7 : i32
      %get3A_276 = arith.index_cast %get3A_275 : i32 to index
      %get3A_277 = arith.index_cast %mul3A_240 : i32 to index
      %get3A_278 = tpu.vector_load %arg8[%get3A_276, %get3A_277] {strides = array<i32>} : memref<16x512xf32, #tpu.memory_space<vmem>>, vector<1x16xf32>,
      %get3A_279 = vector.shape_cast %get3A_278 : vector<1x16xf32> to vector<16xf32>
      %get3A_280 = arith.constant 8 : i32
      %get3A_281 = arith.index_cast %get3A_280 : i32 to index
      %get3A_282 = arith.index_cast %mul3A_240 : i32 to index
      %get3A_283 = tpu.vector_load %arg8[%get3A_281, %get3A_282] {strides = array<i32>} : memref<16x512xf32, #tpu.memory_space<vmem>>, vector<1x16xf32>,
      %get3A_284 = vector.shape_cast %get3A_283 : vector<1x16xf32> to vector<16xf32>
      %get3A_285 = arith.constant 9 : i32
      %get3A_286 = arith.index_cast %get3A_285 : i32 to index
      %get3A_287 = arith.index_cast %mul3A_240 : i32 to index
      %get3A_288 = tpu.vector_load %arg8[%get3A_286, %get3A_287] {strides = array<i32>} : memref<16x512xf32, #tpu.memory_space<vmem>>, vector<1x16xf32>,
      %get3A_289 = vector.shape_cast %get3A_288 : vector<1x16xf32> to vector<16xf32>
      %get3A_290 = arith.constant 10 : i32
      %get3A_291 = arith.index_cast %get3A_290 : i32 to index
      %get3A_292 = arith.index_cast %mul3A_240 : i32 to index
      %get3A_293 = tpu.vector_load %arg8[%get3A_291, %get3A_292] {strides = array<i32>} : memref<16x512xf32, #tpu.memory_space<vmem>>, vector<1x16xf32>,
      %get3A_294 = vector.shape_cast %get3A_293 : vector<1x16xf32> to vector<16xf32>
      %get3A_295 = arith.constant 11 : i32
      %get3A_296 = arith.index_cast %get3A_295 : i32 to index
      %get3A_297 = arith.index_cast %mul3A_240 : i32 to index
      %get3A_298 = tpu.vector_load %arg8[%get3A_296, %get3A_297] {strides = array<i32>} : memref<16x512xf32, #tpu.memory_space<vmem>>, vector<1x16xf32>,
      %get3A_299 = vector.shape_cast %get3A_298 : vector<1x16xf32> to vector<16xf32>
      %get3A_300 = arith.constant 12 : i32
      %get3A_301 = arith.index_cast %get3A_300 : i32 to index
      %get3A_302 = arith.index_cast %mul3A_240 : i32 to index
      %get3A_303 = tpu.vector_load %arg8[%get3A_301, %get3A_302] {strides = array<i32>} : memref<16x512xf32, #tpu.memory_space<vmem>>, vector<1x16xf32>,
      %get3A_304 = vector.shape_cast %get3A_303 : vector<1x16xf32> to vector<16xf32>
      %get3A_305 = arith.constant 13 : i32
      %get3A_306 = arith.index_cast %get3A_305 : i32 to index
      %get3A_307 = arith.index_cast %mul3A_240 : i32 to index
      %get3A_308 = tpu.vector_load %arg8[%get3A_306, %get3A_307] {strides = array<i32>} : memref<16x512xf32, #tpu.memory_space<vmem>>, vector<1x16xf32>,
      %get3A_309 = vector.shape_cast %get3A_308 : vector<1x16xf32> to vector<16xf32>
      %get3A_310 = arith.constant 14 : i32
      %get3A_311 = arith.index_cast %get3A_310 : i32 to index
      %get3A_312 = arith.index_cast %mul3A_240 : i32 to index
      %get3A_313 = tpu.vector_load %arg8[%get3A_311, %get3A_312] {strides = array<i32>} : memref<16x512xf32, #tpu.memory_space<vmem>>, vector<1x16xf32>,
      %get3A_314 = vector.shape_cast %get3A_313 : vector<1x16xf32> to vector<16xf32>
      %get3A_315 = arith.constant 15 : i32
      %get3A_316 = arith.index_cast %get3A_315 : i32 to index
      %get3A_317 = arith.index_cast %mul3A_240 : i32 to index
      %get3A_318 = tpu.vector_load %arg8[%get3A_316, %get3A_317] {strides = array<i32>} : memref<16x512xf32, #tpu.memory_space<vmem>>, vector<1x16xf32>,
      %get3A_319 = vector.shape_cast %get3A_318 : vector<1x16xf32> to vector<16xf32>
      %broadcast_in_dim3A_320 = arith.constant 0 : i32
      %broadcast_in_dim3A_321 = vector.broadcast %broadcast_in_dim3A_320 : i32 to vector<16xi32>
      %gt3A = arith.cmpf ogt, %get3A_249, %get3A_244 : vector<16xf32>
      %select_n3A = arith.select %gt3A, %get3A_249, %get3A_244 : vector<16xi1>, vector<16xf32>
      %jit3A = arith.constant 1 : i32
      %broadcast_in_dim3A_322 = vector.broadcast %jit3A : i32 to vector<16xi32>
      %select_n3A_323 = arith.select %gt3A, %broadcast_in_dim3A_322, %broadcast_in_dim3A_321 : vector<16xi1>, vector<16xi32>
      %gt3A_324 = arith.cmpf ogt, %get3A_254, %select_n3A : vector<16xf32>
      %select_n3A_325 = arith.select %gt3A_324, %get3A_254, %select_n3A : vector<16xi1>, vector<16xf32>
      %jit3A_326 = arith.constant 2 : i32
      %broadcast_in_dim3A_327 = vector.broadcast %jit3A_326 : i32 to vector<16xi32>
      %select_n3A_328 = arith.select %gt3A_324, %broadcast_in_dim3A_327, %select_n3A_323 : vector<16xi1>, vector<16xi32>
      %gt3A_329 = arith.cmpf ogt, %get3A_259, %select_n3A_325 : vector<16xf32>
      %select_n3A_330 = arith.select %gt3A_329, %get3A_259, %select_n3A_325 : vector<16xi1>, vector<16xf32>
      %jit3A_331 = arith.constant 3 : i32
      %broadcast_in_dim3A_332 = vector.broadcast %jit3A_331 : i32 to vector<16xi32>
      %select_n3A_333 = arith.select %gt3A_329, %broadcast_in_dim3A_332, %select_n3A_328 : vector<16xi1>, vector<16xi32>
      %gt3A_334 = arith.cmpf ogt, %get3A_264, %select_n3A_330 : vector<16xf32>
      %select_n3A_335 = arith.select %gt3A_334, %get3A_264, %select_n3A_330 : vector<16xi1>, vector<16xf32>
      %jit3A_336 = arith.constant 4 : i32
      %broadcast_in_dim3A_337 = vector.broadcast %jit3A_336 : i32 to vector<16xi32>
      %select_n3A_338 = arith.select %gt3A_334, %broadcast_in_dim3A_337, %select_n3A_333 : vector<16xi1>, vector<16xi32>
      %gt3A_339 = arith.cmpf ogt, %get3A_269, %select_n3A_335 : vector<16xf32>
      %select_n3A_340 = arith.select %gt3A_339, %get3A_269, %select_n3A_335 : vector<16xi1>, vector<16xf32>
      %jit3A_341 = arith.constant 5 : i32
      %broadcast_in_dim3A_342 = vector.broadcast %jit3A_341 : i32 to vector<16xi32>
      %select_n3A_343 = arith.select %gt3A_339, %broadcast_in_dim3A_342, %select_n3A_338 : vector<16xi1>, vector<16xi32>
      %gt3A_344 = arith.cmpf ogt, %get3A_274, %select_n3A_340 : vector<16xf32>
      %select_n3A_345 = arith.select %gt3A_344, %get3A_274, %select_n3A_340 : vector<16xi1>, vector<16xf32>
      %jit3A_346 = arith.constant 6 : i32
      %broadcast_in_dim3A_347 = vector.broadcast %jit3A_346 : i32 to vector<16xi32>
      %select_n3A_348 = arith.select %gt3A_344, %broadcast_in_dim3A_347, %select_n3A_343 : vector<16xi1>, vector<16xi32>
      %gt3A_349 = arith.cmpf ogt, %get3A_279, %select_n3A_345 : vector<16xf32>
      %select_n3A_350 = arith.select %gt3A_349, %get3A_279, %select_n3A_345 : vector<16xi1>, vector<16xf32>
      %jit3A_351 = arith.constant 7 : i32
      %broadcast_in_dim3A_352 = vector.broadcast %jit3A_351 : i32 to vector<16xi32>
      %select_n3A_353 = arith.select %gt3A_349, %broadcast_in_dim3A_352, %select_n3A_348 : vector<16xi1>, vector<16xi32>
      %gt3A_354 = arith.cmpf ogt, %get3A_284, %select_n3A_350 : vector<16xf32>
      %select_n3A_355 = arith.select %gt3A_354, %get3A_284, %select_n3A_350 : vector<16xi1>, vector<16xf32>
      %jit3A_356 = arith.constant 8 : i32
      %broadcast_in_dim3A_357 = vector.broadcast %jit3A_356 : i32 to vector<16xi32>
      %select_n3A_358 = arith.select %gt3A_354, %broadcast_in_dim3A_357, %select_n3A_353 : vector<16xi1>, vector<16xi32>
      %gt3A_359 = arith.cmpf ogt, %get3A_289, %select_n3A_355 : vector<16xf32>
      %select_n3A_360 = arith.select %gt3A_359, %get3A_289, %select_n3A_355 : vector<16xi1>, vector<16xf32>
      %jit3A_361 = arith.constant 9 : i32
      %broadcast_in_dim3A_362 = vector.broadcast %jit3A_361 : i32 to vector<16xi32>
      %select_n3A_363 = arith.select %gt3A_359, %broadcast_in_dim3A_362, %select_n3A_358 : vector<16xi1>, vector<16xi32>
      %gt3A_364 = arith.cmpf ogt, %get3A_294, %select_n3A_360 : vector<16xf32>
      %select_n3A_365 = arith.select %gt3A_364, %get3A_294, %select_n3A_360 : vector<16xi1>, vector<16xf32>
      %jit3A_366 = arith.constant 10 : i32
      %broadcast_in_dim3A_367 = vector.broadcast %jit3A_366 : i32 to vector<16xi32>
      %select_n3A_368 = arith.select %gt3A_364, %broadcast_in_dim3A_367, %select_n3A_363 : vector<16xi1>, vector<16xi32>
      %gt3A_369 = arith.cmpf ogt, %get3A_299, %select_n3A_365 : vector<16xf32>
      %select_n3A_370 = arith.select %gt3A_369, %get3A_299, %select_n3A_365 : vector<16xi1>, vector<16xf32>
      %jit3A_371 = arith.constant 11 : i32
      %broadcast_in_dim3A_372 = vector.broadcast %jit3A_371 : i32 to vector<16xi32>
      %select_n3A_373 = arith.select %gt3A_369, %broadcast_in_dim3A_372, %select_n3A_368 : vector<16xi1>, vector<16xi32>
      %gt3A_374 = arith.cmpf ogt, %get3A_304, %select_n3A_370 : vector<16xf32>
      %select_n3A_375 = arith.select %gt3A_374, %get3A_304, %select_n3A_370 : vector<16xi1>, vector<16xf32>
      %jit3A_376 = arith.constant 12 : i32
      %broadcast_in_dim3A_377 = vector.broadcast %jit3A_376 : i32 to vector<16xi32>
      %select_n3A_378 = arith.select %gt3A_374, %broadcast_in_dim3A_377, %select_n3A_373 : vector<16xi1>, vector<16xi32>
      %gt3A_379 = arith.cmpf ogt, %get3A_309, %select_n3A_375 : vector<16xf32>
      %select_n3A_380 = arith.select %gt3A_379, %get3A_309, %select_n3A_375 : vector<16xi1>, vector<16xf32>
      %jit3A_381 = arith.constant 13 : i32
      %broadcast_in_dim3A_382 = vector.broadcast %jit3A_381 : i32 to vector<16xi32>
      %select_n3A_383 = arith.select %gt3A_379, %broadcast_in_dim3A_382, %select_n3A_378 : vector<16xi1>, vector<16xi32>
      %gt3A_384 = arith.cmpf ogt, %get3A_314, %select_n3A_380 : vector<16xf32>
      %select_n3A_385 = arith.select %gt3A_384, %get3A_314, %select_n3A_380 : vector<16xi1>, vector<16xf32>
      %jit3A_386 = arith.constant 14 : i32
      %broadcast_in_dim3A_387 = vector.broadcast %jit3A_386 : i32 to vector<16xi32>
      %select_n3A_388 = arith.select %gt3A_384, %broadcast_in_dim3A_387, %select_n3A_383 : vector<16xi1>, vector<16xi32>
      %gt3A_389 = arith.cmpf ogt, %get3A_319, %select_n3A_385 : vector<16xf32>
      %select_n3A_390 = arith.select %gt3A_389, %get3A_319, %select_n3A_385 : vector<16xi1>, vector<16xf32>
      %jit3A_391 = arith.constant 15 : i32
      %broadcast_in_dim3A_392 = vector.broadcast %jit3A_391 : i32 to vector<16xi32>
      %select_n3A_393 = arith.select %gt3A_389, %broadcast_in_dim3A_392, %select_n3A_388 : vector<16xi1>, vector<16xi32>
      %broadcast_in_dim3A_394 = arith.constant 0xFF800000 : f32
      %broadcast_in_dim3A_395 = vector.broadcast %broadcast_in_dim3A_394 : f32 to vector<16xf32>
      %broadcast_in_dim3A_396 = arith.constant 0 : i32
      %broadcast_in_dim3A_397 = vector.broadcast %broadcast_in_dim3A_396 : i32 to vector<16xi32>
      %gt3A_398 = arith.cmpf ogt, %get3A_244, %broadcast_in_dim3A_395 : vector<16xf32>
      %ne3A = arith.constant 0 : i32
      %ne3A_399 = vector.broadcast %ne3A : i32 to vector<16xi32>
      %ne3A_400 = arith.cmpi ne, %select_n3A_393, %ne3A_399 : vector<16xi32>
      %and3A = arith.andi %gt3A_398, %ne3A_400 : vector<16xi1>
      %select_n3A_401 = arith.select %and3A, %get3A_244, %broadcast_in_dim3A_395 : vector<16xi1>, vector<16xf32>
      %jit3A_402 = arith.constant 0 : i32
      %broadcast_in_dim3A_403 = vector.broadcast %jit3A_402 : i32 to vector<16xi32>
      %select_n3A_404 = arith.select %and3A, %broadcast_in_dim3A_403, %broadcast_in_dim3A_397 : vector<16xi1>, vector<16xi32>
      %gt3A_405 = arith.cmpf ogt, %get3A_249, %select_n3A_401 : vector<16xf32>
      %ne3A_406 = arith.constant 1 : i32
      %ne3A_407 = vector.broadcast %ne3A_406 : i32 to vector<16xi32>
      %ne3A_408 = arith.cmpi ne, %select_n3A_393, %ne3A_407 : vector<16xi32>
      %and3A_409 = arith.andi %gt3A_405, %ne3A_408 : vector<16xi1>
      %select_n3A_410 = arith.select %and3A_409, %get3A_249, %select_n3A_401 : vector<16xi1>, vector<16xf32>
      %jit3A_411 = arith.constant 1 : i32
      %broadcast_in_dim3A_412 = vector.broadcast %jit3A_411 : i32 to vector<16xi32>
      %select_n3A_413 = arith.select %and3A_409, %broadcast_in_dim3A_412, %select_n3A_404 : vector<16xi1>, vector<16xi32>
      %gt3A_414 = arith.cmpf ogt, %get3A_254, %select_n3A_410 : vector<16xf32>
      %ne3A_415 = arith.constant 2 : i32
      %ne3A_416 = vector.broadcast %ne3A_415 : i32 to vector<16xi32>
      %ne3A_417 = arith.cmpi ne, %select_n3A_393, %ne3A_416 : vector<16xi32>
      %and3A_418 = arith.andi %gt3A_414, %ne3A_417 : vector<16xi1>
      %select_n3A_419 = arith.select %and3A_418, %get3A_254, %select_n3A_410 : vector<16xi1>, vector<16xf32>
      %jit3A_420 = arith.constant 2 : i32
      %broadcast_in_dim3A_421 = vector.broadcast %jit3A_420 : i32 to vector<16xi32>
      %select_n3A_422 = arith.select %and3A_418, %broadcast_in_dim3A_421, %select_n3A_413 : vector<16xi1>, vector<16xi32>
      %gt3A_423 = arith.cmpf ogt, %get3A_259, %select_n3A_419 : vector<16xf32>
      %ne3A_424 = arith.constant 3 : i32
      %ne3A_425 = vector.broadcast %ne3A_424 : i32 to vector<16xi32>
      %ne3A_426 = arith.cmpi ne, %select_n3A_393, %ne3A_425 : vector<16xi32>
      %and3A_427 = arith.andi %gt3A_423, %ne3A_426 : vector<16xi1>
      %select_n3A_428 = arith.select %and3A_427, %get3A_259, %select_n3A_419 : vector<16xi1>, vector<16xf32>
      %jit3A_429 = arith.constant 3 : i32
      %broadcast_in_dim3A_430 = vector.broadcast %jit3A_429 : i32 to vector<16xi32>
      %select_n3A_431 = arith.select %and3A_427, %broadcast_in_dim3A_430, %select_n3A_422 : vector<16xi1>, vector<16xi32>
      %gt3A_432 = arith.cmpf ogt, %get3A_264, %select_n3A_428 : vector<16xf32>
      %ne3A_433 = arith.constant 4 : i32
      %ne3A_434 = vector.broadcast %ne3A_433 : i32 to vector<16xi32>
      %ne3A_435 = arith.cmpi ne, %select_n3A_393, %ne3A_434 : vector<16xi32>
      %and3A_436 = arith.andi %gt3A_432, %ne3A_435 : vector<16xi1>
      %select_n3A_437 = arith.select %and3A_436, %get3A_264, %select_n3A_428 : vector<16xi1>, vector<16xf32>
      %jit3A_438 = arith.constant 4 : i32
      %broadcast_in_dim3A_439 = vector.broadcast %jit3A_438 : i32 to vector<16xi32>
      %select_n3A_440 = arith.select %and3A_436, %broadcast_in_dim3A_439, %select_n3A_431 : vector<16xi1>, vector<16xi32>
      %gt3A_441 = arith.cmpf ogt, %get3A_269, %select_n3A_437 : vector<16xf32>
      %ne3A_442 = arith.constant 5 : i32
      %ne3A_443 = vector.broadcast %ne3A_442 : i32 to vector<16xi32>
      %ne3A_444 = arith.cmpi ne, %select_n3A_393, %ne3A_443 : vector<16xi32>
      %and3A_445 = arith.andi %gt3A_441, %ne3A_444 : vector<16xi1>
      %select_n3A_446 = arith.select %and3A_445, %get3A_269, %select_n3A_437 : vector<16xi1>, vector<16xf32>
      %jit3A_447 = arith.constant 5 : i32
      %broadcast_in_dim3A_448 = vector.broadcast %jit3A_447 : i32 to vector<16xi32>
      %select_n3A_449 = arith.select %and3A_445, %broadcast_in_dim3A_448, %select_n3A_440 : vector<16xi1>, vector<16xi32>
      %gt3A_450 = arith.cmpf ogt, %get3A_274, %select_n3A_446 : vector<16xf32>
      %ne3A_451 = arith.constant 6 : i32
      %ne3A_452 = vector.broadcast %ne3A_451 : i32 to vector<16xi32>
      %ne3A_453 = arith.cmpi ne, %select_n3A_393, %ne3A_452 : vector<16xi32>
      %and3A_454 = arith.andi %gt3A_450, %ne3A_453 : vector<16xi1>
      %select_n3A_455 = arith.select %and3A_454, %get3A_274, %select_n3A_446 : vector<16xi1>, vector<16xf32>
      %jit3A_456 = arith.constant 6 : i32
      %broadcast_in_dim3A_457 = vector.broadcast %jit3A_456 : i32 to vector<16xi32>
      %select_n3A_458 = arith.select %and3A_454, %broadcast_in_dim3A_457, %select_n3A_449 : vector<16xi1>, vector<16xi32>
      %gt3A_459 = arith.cmpf ogt, %get3A_279, %select_n3A_455 : vector<16xf32>
      %ne3A_460 = arith.constant 7 : i32
      %ne3A_461 = vector.broadcast %ne3A_460 : i32 to vector<16xi32>
      %ne3A_462 = arith.cmpi ne, %select_n3A_393, %ne3A_461 : vector<16xi32>
      %and3A_463 = arith.andi %gt3A_459, %ne3A_462 : vector<16xi1>
      %select_n3A_464 = arith.select %and3A_463, %get3A_279, %select_n3A_455 : vector<16xi1>, vector<16xf32>
      %jit3A_465 = arith.constant 7 : i32
      %broadcast_in_dim3A_466 = vector.broadcast %jit3A_465 : i32 to vector<16xi32>
      %select_n3A_467 = arith.select %and3A_463, %broadcast_in_dim3A_466, %select_n3A_458 : vector<16xi1>, vector<16xi32>
      %gt3A_468 = arith.cmpf ogt, %get3A_284, %select_n3A_464 : vector<16xf32>
      %ne3A_469 = arith.constant 8 : i32
      %ne3A_470 = vector.broadcast %ne3A_469 : i32 to vector<16xi32>
      %ne3A_471 = arith.cmpi ne, %select_n3A_393, %ne3A_470 : vector<16xi32>
      %and3A_472 = arith.andi %gt3A_468, %ne3A_471 : vector<16xi1>
      %select_n3A_473 = arith.select %and3A_472, %get3A_284, %select_n3A_464 : vector<16xi1>, vector<16xf32>
      %jit3A_474 = arith.constant 8 : i32
      %broadcast_in_dim3A_475 = vector.broadcast %jit3A_474 : i32 to vector<16xi32>
      %select_n3A_476 = arith.select %and3A_472, %broadcast_in_dim3A_475, %select_n3A_467 : vector<16xi1>, vector<16xi32>
      %gt3A_477 = arith.cmpf ogt, %get3A_289, %select_n3A_473 : vector<16xf32>
      %ne3A_478 = arith.constant 9 : i32
      %ne3A_479 = vector.broadcast %ne3A_478 : i32 to vector<16xi32>
      %ne3A_480 = arith.cmpi ne, %select_n3A_393, %ne3A_479 : vector<16xi32>
      %and3A_481 = arith.andi %gt3A_477, %ne3A_480 : vector<16xi1>
      %select_n3A_482 = arith.select %and3A_481, %get3A_289, %select_n3A_473 : vector<16xi1>, vector<16xf32>
      %jit3A_483 = arith.constant 9 : i32
      %broadcast_in_dim3A_484 = vector.broadcast %jit3A_483 : i32 to vector<16xi32>
      %select_n3A_485 = arith.select %and3A_481, %broadcast_in_dim3A_484, %select_n3A_476 : vector<16xi1>, vector<16xi32>
      %gt3A_486 = arith.cmpf ogt, %get3A_294, %select_n3A_482 : vector<16xf32>
      %ne3A_487 = arith.constant 10 : i32
      %ne3A_488 = vector.broadcast %ne3A_487 : i32 to vector<16xi32>
      %ne3A_489 = arith.cmpi ne, %select_n3A_393, %ne3A_488 : vector<16xi32>
      %and3A_490 = arith.andi %gt3A_486, %ne3A_489 : vector<16xi1>
      %select_n3A_491 = arith.select %and3A_490, %get3A_294, %select_n3A_482 : vector<16xi1>, vector<16xf32>
      %jit3A_492 = arith.constant 10 : i32
      %broadcast_in_dim3A_493 = vector.broadcast %jit3A_492 : i32 to vector<16xi32>
      %select_n3A_494 = arith.select %and3A_490, %broadcast_in_dim3A_493, %select_n3A_485 : vector<16xi1>, vector<16xi32>
      %gt3A_495 = arith.cmpf ogt, %get3A_299, %select_n3A_491 : vector<16xf32>
      %ne3A_496 = arith.constant 11 : i32
      %ne3A_497 = vector.broadcast %ne3A_496 : i32 to vector<16xi32>
      %ne3A_498 = arith.cmpi ne, %select_n3A_393, %ne3A_497 : vector<16xi32>
      %and3A_499 = arith.andi %gt3A_495, %ne3A_498 : vector<16xi1>
      %select_n3A_500 = arith.select %and3A_499, %get3A_299, %select_n3A_491 : vector<16xi1>, vector<16xf32>
      %jit3A_501 = arith.constant 11 : i32
      %broadcast_in_dim3A_502 = vector.broadcast %jit3A_501 : i32 to vector<16xi32>
      %select_n3A_503 = arith.select %and3A_499, %broadcast_in_dim3A_502, %select_n3A_494 : vector<16xi1>, vector<16xi32>
      %gt3A_504 = arith.cmpf ogt, %get3A_304, %select_n3A_500 : vector<16xf32>
      %ne3A_505 = arith.constant 12 : i32
      %ne3A_506 = vector.broadcast %ne3A_505 : i32 to vector<16xi32>
      %ne3A_507 = arith.cmpi ne, %select_n3A_393, %ne3A_506 : vector<16xi32>
      %and3A_508 = arith.andi %gt3A_504, %ne3A_507 : vector<16xi1>
      %select_n3A_509 = arith.select %and3A_508, %get3A_304, %select_n3A_500 : vector<16xi1>, vector<16xf32>
      %jit3A_510 = arith.constant 12 : i32
      %broadcast_in_dim3A_511 = vector.broadcast %jit3A_510 : i32 to vector<16xi32>
      %select_n3A_512 = arith.select %and3A_508, %broadcast_in_dim3A_511, %select_n3A_503 : vector<16xi1>, vector<16xi32>
      %gt3A_513 = arith.cmpf ogt, %get3A_309, %select_n3A_509 : vector<16xf32>
      %ne3A_514 = arith.constant 13 : i32
      %ne3A_515 = vector.broadcast %ne3A_514 : i32 to vector<16xi32>
      %ne3A_516 = arith.cmpi ne, %select_n3A_393, %ne3A_515 : vector<16xi32>
      %and3A_517 = arith.andi %gt3A_513, %ne3A_516 : vector<16xi1>
      %select_n3A_518 = arith.select %and3A_517, %get3A_309, %select_n3A_509 : vector<16xi1>, vector<16xf32>
      %jit3A_519 = arith.constant 13 : i32
      %broadcast_in_dim3A_520 = vector.broadcast %jit3A_519 : i32 to vector<16xi32>
      %select_n3A_521 = arith.select %and3A_517, %broadcast_in_dim3A_520, %select_n3A_512 : vector<16xi1>, vector<16xi32>
      %gt3A_522 = arith.cmpf ogt, %get3A_314, %select_n3A_518 : vector<16xf32>
      %ne3A_523 = arith.constant 14 : i32
      %ne3A_524 = vector.broadcast %ne3A_523 : i32 to vector<16xi32>
      %ne3A_525 = arith.cmpi ne, %select_n3A_393, %ne3A_524 : vector<16xi32>
      %and3A_526 = arith.andi %gt3A_522, %ne3A_525 : vector<16xi1>
      %select_n3A_527 = arith.select %and3A_526, %get3A_314, %select_n3A_518 : vector<16xi1>, vector<16xf32>
      %jit3A_528 = arith.constant 14 : i32
      %broadcast_in_dim3A_529 = vector.broadcast %jit3A_528 : i32 to vector<16xi32>
      %select_n3A_530 = arith.select %and3A_526, %broadcast_in_dim3A_529, %select_n3A_521 : vector<16xi1>, vector<16xi32>
      %gt3A_531 = arith.cmpf ogt, %get3A_319, %select_n3A_527 : vector<16xf32>
      %ne3A_532 = arith.constant 15 : i32
      %ne3A_533 = vector.broadcast %ne3A_532 : i32 to vector<16xi32>
      %ne3A_534 = arith.cmpi ne, %select_n3A_393, %ne3A_533 : vector<16xi32>
      %and3A_535 = arith.andi %gt3A_531, %ne3A_534 : vector<16xi1>
      %select_n3A_536 = arith.select %and3A_535, %get3A_319, %select_n3A_527 : vector<16xi1>, vector<16xf32>
      %jit3A_537 = arith.constant 15 : i32
      %broadcast_in_dim3A_538 = vector.broadcast %jit3A_537 : i32 to vector<16xi32>
      %select_n3A_539 = arith.select %and3A_535, %broadcast_in_dim3A_538, %select_n3A_530 : vector<16xi1>, vector<16xi32>
      %add3A_540 = arith.addf %select_n3A_390, %select_n3A_536 : vector<16xf32>
      %div3A = arith.divf %select_n3A_390, %add3A_540 : vector<16xf32>
      %swap3A_541 = arith.index_cast %mul3A_240 : i32 to index
      %swap3A_542 = tpu.vector_load %arg9[%swap3A_541] {strides = array<i32>} : memref<512xf32, #tpu.memory_space<vmem>>, vector<16xf32>,
      %swap3A_543 = vector.shape_cast %swap3A_542 : vector<16xf32> to vector<16xf32>
      %swap3A_544 = vector.shape_cast %div3A : vector<16xf32> to vector<16xf32>
      tpu.vector_store %arg9[%swap3A_541], %swap3A_544 {strides = array<i32>} : memref<512xf32, #tpu.memory_space<vmem>>, vector<16xf32>,
      %div3A_545 = arith.divf %select_n3A_536, %add3A_540 : vector<16xf32>
      %swap3A_546 = arith.index_cast %mul3A_240 : i32 to index
      %swap3A_547 = tpu.vector_load %arg10[%swap3A_546] {strides = array<i32>} : memref<512xf32, #tpu.memory_space<vmem>>, vector<16xf32>,
      %swap3A_548 = vector.shape_cast %swap3A_547 : vector<16xf32> to vector<16xf32>
      %swap3A_549 = vector.shape_cast %div3A_545 : vector<16xf32> to vector<16xf32>
      tpu.vector_store %arg10[%swap3A_546], %swap3A_549 {strides = array<i32>} : memref<512xf32, #tpu.memory_space<vmem>>, vector<16xf32>,
      %swap3A_550 = arith.index_cast %mul3A_240 : i32 to index
      %swap3A_551 = tpu.vector_load %arg11[%swap3A_550] {strides = array<i32>} : memref<512xi32, #tpu.memory_space<vmem>>, vector<16xi32>,
      %swap3A_552 = vector.shape_cast %swap3A_551 : vector<16xi32> to vector<16xi32>
      %swap3A_553 = vector.shape_cast %select_n3A_393 : vector<16xi32> to vector<16xi32>
      tpu.vector_store %arg11[%swap3A_550], %swap3A_553 {strides = array<i32>} : memref<512xi32, #tpu.memory_space<vmem>>, vector<16xi32>,
      %swap3A_554 = arith.index_cast %mul3A_240 : i32 to index
      %swap3A_555 = tpu.vector_load %arg12[%swap3A_554] {strides = array<i32>} : memref<512xi32, #tpu.memory_space<vmem>>, vector<16xi32>,
      %swap3A_556 = vector.shape_cast %swap3A_555 : vector<16xi32> to vector<16xi32>
      %swap3A_557 = vector.shape_cast %select_n3A_539 : vector<16xi32> to vector<16xi32>
      tpu.vector_store %arg12[%swap3A_554], %swap3A_557 {strides = array<i32>} : memref<512xi32, #tpu.memory_space<vmem>>, vector<16xi32>,
      %eq3A = arith.constant 0 : i32
      %eq3A_558 = vector.broadcast %eq3A : i32 to vector<16xi32>
      %eq3A_559 = arith.cmpi eq, %select_n3A_393, %eq3A_558 : vector<16xi32>
      %jit3A_560 = arith.constant 1.000000e+00 : f32
      %jit3A_561 = arith.constant 0.000000e+00 : f32
      %broadcast_in_dim3A_562 = vector.broadcast %jit3A_560 : f32 to vector<16xf32>
      %broadcast_in_dim3A_563 = vector.broadcast %jit3A_561 : f32 to vector<16xf32>
      %select_n3A_564 = arith.select %eq3A_559, %broadcast_in_dim3A_562, %broadcast_in_dim3A_563 : vector<16xi1>, vector<16xf32>
      %add3A_565 = arith.addf %scan3A_207, %select_n3A_564 : vector<16xf32>
      %eq3A_566 = arith.constant 0 : i32
      %eq3A_567 = vector.broadcast %eq3A_566 : i32 to vector<16xi32>
      %eq3A_568 = arith.cmpi eq, %select_n3A_539, %eq3A_567 : vector<16xi32>
      %jit3A_569 = arith.constant 1.000000e+00 : f32
      %jit3A_570 = arith.constant 0.000000e+00 : f32
      %broadcast_in_dim3A_571 = vector.broadcast %jit3A_569 : f32 to vector<16xf32>
      %broadcast_in_dim3A_572 = vector.broadcast %jit3A_570 : f32 to vector<16xf32>
      %select_n3A_573 = arith.select %eq3A_568, %broadcast_in_dim3A_571, %broadcast_in_dim3A_572 : vector<16xi1>, vector<16xf32>
      %add3A_574 = arith.addf %add3A_565, %select_n3A_573 : vector<16xf32>
      %eq3A_575 = arith.constant 1 : i32
      %eq3A_576 = vector.broadcast %eq3A_575 : i32 to vector<16xi32>
      %eq3A_577 = arith.cmpi eq, %select_n3A_393, %eq3A_576 : vector<16xi32>
      %jit3A_578 = arith.constant 1.000000e+00 : f32
      %jit3A_579 = arith.constant 0.000000e+00 : f32
      %broadcast_in_dim3A_580 = vector.broadcast %jit3A_578 : f32 to vector<16xf32>
      %broadcast_in_dim3A_581 = vector.broadcast %jit3A_579 : f32 to vector<16xf32>
      %select_n3A_582 = arith.select %eq3A_577, %broadcast_in_dim3A_580, %broadcast_in_dim3A_581 : vector<16xi1>, vector<16xf32>
      %add3A_583 = arith.addf %scan3A_208, %select_n3A_582 : vector<16xf32>
      %eq3A_584 = arith.constant 1 : i32
      %eq3A_585 = vector.broadcast %eq3A_584 : i32 to vector<16xi32>
      %eq3A_586 = arith.cmpi eq, %select_n3A_539, %eq3A_585 : vector<16xi32>
      %jit3A_587 = arith.constant 1.000000e+00 : f32
      %jit3A_588 = arith.constant 0.000000e+00 : f32
      %broadcast_in_dim3A_589 = vector.broadcast %jit3A_587 : f32 to vector<16xf32>
      %broadcast_in_dim3A_590 = vector.broadcast %jit3A_588 : f32 to vector<16xf32>
      %select_n3A_591 = arith.select %eq3A_586, %broadcast_in_dim3A_589, %broadcast_in_dim3A_590 : vector<16xi1>, vector<16xf32>
      %add3A_592 = arith.addf %add3A_583, %select_n3A_591 : vector<16xf32>
      %eq3A_593 = arith.constant 2 : i32
      %eq3A_594 = vector.broadcast %eq3A_593 : i32 to vector<16xi32>
      %eq3A_595 = arith.cmpi eq, %select_n3A_393, %eq3A_594 : vector<16xi32>
      %jit3A_596 = arith.constant 1.000000e+00 : f32
      %jit3A_597 = arith.constant 0.000000e+00 : f32
      %broadcast_in_dim3A_598 = vector.broadcast %jit3A_596 : f32 to vector<16xf32>
      %broadcast_in_dim3A_599 = vector.broadcast %jit3A_597 : f32 to vector<16xf32>
      %select_n3A_600 = arith.select %eq3A_595, %broadcast_in_dim3A_598, %broadcast_in_dim3A_599 : vector<16xi1>, vector<16xf32>
      %add3A_601 = arith.addf %scan3A_209, %select_n3A_600 : vector<16xf32>
      %eq3A_602 = arith.constant 2 : i32
      %eq3A_603 = vector.broadcast %eq3A_602 : i32 to vector<16xi32>
      %eq3A_604 = arith.cmpi eq, %select_n3A_539, %eq3A_603 : vector<16xi32>
      %jit3A_605 = arith.constant 1.000000e+00 : f32
      %jit3A_606 = arith.constant 0.000000e+00 : f32
      %broadcast_in_dim3A_607 = vector.broadcast %jit3A_605 : f32 to vector<16xf32>
      %broadcast_in_dim3A_608 = vector.broadcast %jit3A_606 : f32 to vector<16xf32>
      %select_n3A_609 = arith.select %eq3A_604, %broadcast_in_dim3A_607, %broadcast_in_dim3A_608 : vector<16xi1>, vector<16xf32>
      %add3A_610 = arith.addf %add3A_601, %select_n3A_609 : vector<16xf32>
      %eq3A_611 = arith.constant 3 : i32
      %eq3A_612 = vector.broadcast %eq3A_611 : i32 to vector<16xi32>
      %eq3A_613 = arith.cmpi eq, %select_n3A_393, %eq3A_612 : vector<16xi32>
      %jit3A_614 = arith.constant 1.000000e+00 : f32
      %jit3A_615 = arith.constant 0.000000e+00 : f32
      %broadcast_in_dim3A_616 = vector.broadcast %jit3A_614 : f32 to vector<16xf32>
      %broadcast_in_dim3A_617 = vector.broadcast %jit3A_615 : f32 to vector<16xf32>
      %select_n3A_618 = arith.select %eq3A_613, %broadcast_in_dim3A_616, %broadcast_in_dim3A_617 : vector<16xi1>, vector<16xf32>
      %add3A_619 = arith.addf %scan3A_210, %select_n3A_618 : vector<16xf32>
      %eq3A_620 = arith.constant 3 : i32
      %eq3A_621 = vector.broadcast %eq3A_620 : i32 to vector<16xi32>
      %eq3A_622 = arith.cmpi eq, %select_n3A_539, %eq3A_621 : vector<16xi32>
      %jit3A_623 = arith.constant 1.000000e+00 : f32
      %jit3A_624 = arith.constant 0.000000e+00 : f32
      %broadcast_in_dim3A_625 = vector.broadcast %jit3A_623 : f32 to vector<16xf32>
      %broadcast_in_dim3A_626 = vector.broadcast %jit3A_624 : f32 to vector<16xf32>
      %select_n3A_627 = arith.select %eq3A_622, %broadcast_in_dim3A_625, %broadcast_in_dim3A_626 : vector<16xi1>, vector<16xf32>
      %add3A_628 = arith.addf %add3A_619, %select_n3A_627 : vector<16xf32>
      %eq3A_629 = arith.constant 4 : i32
      %eq3A_630 = vector.broadcast %eq3A_629 : i32 to vector<16xi32>
      %eq3A_631 = arith.cmpi eq, %select_n3A_393, %eq3A_630 : vector<16xi32>
      %jit3A_632 = arith.constant 1.000000e+00 : f32
      %jit3A_633 = arith.constant 0.000000e+00 : f32
      %broadcast_in_dim3A_634 = vector.broadcast %jit3A_632 : f32 to vector<16xf32>
      %broadcast_in_dim3A_635 = vector.broadcast %jit3A_633 : f32 to vector<16xf32>
      %select_n3A_636 = arith.select %eq3A_631, %broadcast_in_dim3A_634, %broadcast_in_dim3A_635 : vector<16xi1>, vector<16xf32>
      %add3A_637 = arith.addf %scan3A_211, %select_n3A_636 : vector<16xf32>
      %eq3A_638 = arith.constant 4 : i32
      %eq3A_639 = vector.broadcast %eq3A_638 : i32 to vector<16xi32>
      %eq3A_640 = arith.cmpi eq, %select_n3A_539, %eq3A_639 : vector<16xi32>
      %jit3A_641 = arith.constant 1.000000e+00 : f32
      %jit3A_642 = arith.constant 0.000000e+00 : f32
      %broadcast_in_dim3A_643 = vector.broadcast %jit3A_641 : f32 to vector<16xf32>
      %broadcast_in_dim3A_644 = vector.broadcast %jit3A_642 : f32 to vector<16xf32>
      %select_n3A_645 = arith.select %eq3A_640, %broadcast_in_dim3A_643, %broadcast_in_dim3A_644 : vector<16xi1>, vector<16xf32>
      %add3A_646 = arith.addf %add3A_637, %select_n3A_645 : vector<16xf32>
      %eq3A_647 = arith.constant 5 : i32
      %eq3A_648 = vector.broadcast %eq3A_647 : i32 to vector<16xi32>
      %eq3A_649 = arith.cmpi eq, %select_n3A_393, %eq3A_648 : vector<16xi32>
      %jit3A_650 = arith.constant 1.000000e+00 : f32
      %jit3A_651 = arith.constant 0.000000e+00 : f32
      %broadcast_in_dim3A_652 = vector.broadcast %jit3A_650 : f32 to vector<16xf32>
      %broadcast_in_dim3A_653 = vector.broadcast %jit3A_651 : f32 to vector<16xf32>
      %select_n3A_654 = arith.select %eq3A_649, %broadcast_in_dim3A_652, %broadcast_in_dim3A_653 : vector<16xi1>, vector<16xf32>
      %add3A_655 = arith.addf %scan3A_212, %select_n3A_654 : vector<16xf32>
      %eq3A_656 = arith.constant 5 : i32
      %eq3A_657 = vector.broadcast %eq3A_656 : i32 to vector<16xi32>
      %eq3A_658 = arith.cmpi eq, %select_n3A_539, %eq3A_657 : vector<16xi32>
      %jit3A_659 = arith.constant 1.000000e+00 : f32
      %jit3A_660 = arith.constant 0.000000e+00 : f32
      %broadcast_in_dim3A_661 = vector.broadcast %jit3A_659 : f32 to vector<16xf32>
      %broadcast_in_dim3A_662 = vector.broadcast %jit3A_660 : f32 to vector<16xf32>
      %select_n3A_663 = arith.select %eq3A_658, %broadcast_in_dim3A_661, %broadcast_in_dim3A_662 : vector<16xi1>, vector<16xf32>
      %add3A_664 = arith.addf %add3A_655, %select_n3A_663 : vector<16xf32>
      %eq3A_665 = arith.constant 6 : i32
      %eq3A_666 = vector.broadcast %eq3A_665 : i32 to vector<16xi32>
      %eq3A_667 = arith.cmpi eq, %select_n3A_393, %eq3A_666 : vector<16xi32>
      %jit3A_668 = arith.constant 1.000000e+00 : f32
      %jit3A_669 = arith.constant 0.000000e+00 : f32
      %broadcast_in_dim3A_670 = vector.broadcast %jit3A_668 : f32 to vector<16xf32>
      %broadcast_in_dim3A_671 = vector.broadcast %jit3A_669 : f32 to vector<16xf32>
      %select_n3A_672 = arith.select %eq3A_667, %broadcast_in_dim3A_670, %broadcast_in_dim3A_671 : vector<16xi1>, vector<16xf32>
      %add3A_673 = arith.addf %scan3A_213, %select_n3A_672 : vector<16xf32>
      %eq3A_674 = arith.constant 6 : i32
      %eq3A_675 = vector.broadcast %eq3A_674 : i32 to vector<16xi32>
      %eq3A_676 = arith.cmpi eq, %select_n3A_539, %eq3A_675 : vector<16xi32>
      %jit3A_677 = arith.constant 1.000000e+00 : f32
      %jit3A_678 = arith.constant 0.000000e+00 : f32
      %broadcast_in_dim3A_679 = vector.broadcast %jit3A_677 : f32 to vector<16xf32>
      %broadcast_in_dim3A_680 = vector.broadcast %jit3A_678 : f32 to vector<16xf32>
      %select_n3A_681 = arith.select %eq3A_676, %broadcast_in_dim3A_679, %broadcast_in_dim3A_680 : vector<16xi1>, vector<16xf32>
      %add3A_682 = arith.addf %add3A_673, %select_n3A_681 : vector<16xf32>
      %eq3A_683 = arith.constant 7 : i32
      %eq3A_684 = vector.broadcast %eq3A_683 : i32 to vector<16xi32>
      %eq3A_685 = arith.cmpi eq, %select_n3A_393, %eq3A_684 : vector<16xi32>
      %jit3A_686 = arith.constant 1.000000e+00 : f32
      %jit3A_687 = arith.constant 0.000000e+00 : f32
      %broadcast_in_dim3A_688 = vector.broadcast %jit3A_686 : f32 to vector<16xf32>
      %broadcast_in_dim3A_689 = vector.broadcast %jit3A_687 : f32 to vector<16xf32>
      %select_n3A_690 = arith.select %eq3A_685, %broadcast_in_dim3A_688, %broadcast_in_dim3A_689 : vector<16xi1>, vector<16xf32>
      %add3A_691 = arith.addf %scan3A_214, %select_n3A_690 : vector<16xf32>
      %eq3A_692 = arith.constant 7 : i32
      %eq3A_693 = vector.broadcast %eq3A_692 : i32 to vector<16xi32>
      %eq3A_694 = arith.cmpi eq, %select_n3A_539, %eq3A_693 : vector<16xi32>
      %jit3A_695 = arith.constant 1.000000e+00 : f32
      %jit3A_696 = arith.constant 0.000000e+00 : f32
      %broadcast_in_dim3A_697 = vector.broadcast %jit3A_695 : f32 to vector<16xf32>
      %broadcast_in_dim3A_698 = vector.broadcast %jit3A_696 : f32 to vector<16xf32>
      %select_n3A_699 = arith.select %eq3A_694, %broadcast_in_dim3A_697, %broadcast_in_dim3A_698 : vector<16xi1>, vector<16xf32>
      %add3A_700 = arith.addf %add3A_691, %select_n3A_699 : vector<16xf32>
      %eq3A_701 = arith.constant 8 : i32
      %eq3A_702 = vector.broadcast %eq3A_701 : i32 to vector<16xi32>
      %eq3A_703 = arith.cmpi eq, %select_n3A_393, %eq3A_702 : vector<16xi32>
      %jit3A_704 = arith.constant 1.000000e+00 : f32
      %jit3A_705 = arith.constant 0.000000e+00 : f32
      %broadcast_in_dim3A_706 = vector.broadcast %jit3A_704 : f32 to vector<16xf32>
      %broadcast_in_dim3A_707 = vector.broadcast %jit3A_705 : f32 to vector<16xf32>
      %select_n3A_708 = arith.select %eq3A_703, %broadcast_in_dim3A_706, %broadcast_in_dim3A_707 : vector<16xi1>, vector<16xf32>
      %add3A_709 = arith.addf %scan3A_215, %select_n3A_708 : vector<16xf32>
      %eq3A_710 = arith.constant 8 : i32
      %eq3A_711 = vector.broadcast %eq3A_710 : i32 to vector<16xi32>
      %eq3A_712 = arith.cmpi eq, %select_n3A_539, %eq3A_711 : vector<16xi32>
      %jit3A_713 = arith.constant 1.000000e+00 : f32
      %jit3A_714 = arith.constant 0.000000e+00 : f32
      %broadcast_in_dim3A_715 = vector.broadcast %jit3A_713 : f32 to vector<16xf32>
      %broadcast_in_dim3A_716 = vector.broadcast %jit3A_714 : f32 to vector<16xf32>
      %select_n3A_717 = arith.select %eq3A_712, %broadcast_in_dim3A_715, %broadcast_in_dim3A_716 : vector<16xi1>, vector<16xf32>
      %add3A_718 = arith.addf %add3A_709, %select_n3A_717 : vector<16xf32>
      %eq3A_719 = arith.constant 9 : i32
      %eq3A_720 = vector.broadcast %eq3A_719 : i32 to vector<16xi32>
      %eq3A_721 = arith.cmpi eq, %select_n3A_393, %eq3A_720 : vector<16xi32>
      %jit3A_722 = arith.constant 1.000000e+00 : f32
      %jit3A_723 = arith.constant 0.000000e+00 : f32
      %broadcast_in_dim3A_724 = vector.broadcast %jit3A_722 : f32 to vector<16xf32>
      %broadcast_in_dim3A_725 = vector.broadcast %jit3A_723 : f32 to vector<16xf32>
      %select_n3A_726 = arith.select %eq3A_721, %broadcast_in_dim3A_724, %broadcast_in_dim3A_725 : vector<16xi1>, vector<16xf32>
      %add3A_727 = arith.addf %scan3A_216, %select_n3A_726 : vector<16xf32>
      %eq3A_728 = arith.constant 9 : i32
      %eq3A_729 = vector.broadcast %eq3A_728 : i32 to vector<16xi32>
      %eq3A_730 = arith.cmpi eq, %select_n3A_539, %eq3A_729 : vector<16xi32>
      %jit3A_731 = arith.constant 1.000000e+00 : f32
      %jit3A_732 = arith.constant 0.000000e+00 : f32
      %broadcast_in_dim3A_733 = vector.broadcast %jit3A_731 : f32 to vector<16xf32>
      %broadcast_in_dim3A_734 = vector.broadcast %jit3A_732 : f32 to vector<16xf32>
      %select_n3A_735 = arith.select %eq3A_730, %broadcast_in_dim3A_733, %broadcast_in_dim3A_734 : vector<16xi1>, vector<16xf32>
      %add3A_736 = arith.addf %add3A_727, %select_n3A_735 : vector<16xf32>
      %eq3A_737 = arith.constant 10 : i32
      %eq3A_738 = vector.broadcast %eq3A_737 : i32 to vector<16xi32>
      %eq3A_739 = arith.cmpi eq, %select_n3A_393, %eq3A_738 : vector<16xi32>
      %jit3A_740 = arith.constant 1.000000e+00 : f32
      %jit3A_741 = arith.constant 0.000000e+00 : f32
      %broadcast_in_dim3A_742 = vector.broadcast %jit3A_740 : f32 to vector<16xf32>
      %broadcast_in_dim3A_743 = vector.broadcast %jit3A_741 : f32 to vector<16xf32>
      %select_n3A_744 = arith.select %eq3A_739, %broadcast_in_dim3A_742, %broadcast_in_dim3A_743 : vector<16xi1>, vector<16xf32>
      %add3A_745 = arith.addf %scan3A_217, %select_n3A_744 : vector<16xf32>
      %eq3A_746 = arith.constant 10 : i32
      %eq3A_747 = vector.broadcast %eq3A_746 : i32 to vector<16xi32>
      %eq3A_748 = arith.cmpi eq, %select_n3A_539, %eq3A_747 : vector<16xi32>
      %jit3A_749 = arith.constant 1.000000e+00 : f32
      %jit3A_750 = arith.constant 0.000000e+00 : f32
      %broadcast_in_dim3A_751 = vector.broadcast %jit3A_749 : f32 to vector<16xf32>
      %broadcast_in_dim3A_752 = vector.broadcast %jit3A_750 : f32 to vector<16xf32>
      %select_n3A_753 = arith.select %eq3A_748, %broadcast_in_dim3A_751, %broadcast_in_dim3A_752 : vector<16xi1>, vector<16xf32>
      %add3A_754 = arith.addf %add3A_745, %select_n3A_753 : vector<16xf32>
      %eq3A_755 = arith.constant 11 : i32
      %eq3A_756 = vector.broadcast %eq3A_755 : i32 to vector<16xi32>
      %eq3A_757 = arith.cmpi eq, %select_n3A_393, %eq3A_756 : vector<16xi32>
      %jit3A_758 = arith.constant 1.000000e+00 : f32
      %jit3A_759 = arith.constant 0.000000e+00 : f32
      %broadcast_in_dim3A_760 = vector.broadcast %jit3A_758 : f32 to vector<16xf32>
      %broadcast_in_dim3A_761 = vector.broadcast %jit3A_759 : f32 to vector<16xf32>
      %select_n3A_762 = arith.select %eq3A_757, %broadcast_in_dim3A_760, %broadcast_in_dim3A_761 : vector<16xi1>, vector<16xf32>
      %add3A_763 = arith.addf %scan3A_218, %select_n3A_762 : vector<16xf32>
      %eq3A_764 = arith.constant 11 : i32
      %eq3A_765 = vector.broadcast %eq3A_764 : i32 to vector<16xi32>
      %eq3A_766 = arith.cmpi eq, %select_n3A_539, %eq3A_765 : vector<16xi32>
      %jit3A_767 = arith.constant 1.000000e+00 : f32
      %jit3A_768 = arith.constant 0.000000e+00 : f32
      %broadcast_in_dim3A_769 = vector.broadcast %jit3A_767 : f32 to vector<16xf32>
      %broadcast_in_dim3A_770 = vector.broadcast %jit3A_768 : f32 to vector<16xf32>
      %select_n3A_771 = arith.select %eq3A_766, %broadcast_in_dim3A_769, %broadcast_in_dim3A_770 : vector<16xi1>, vector<16xf32>
      %add3A_772 = arith.addf %add3A_763, %select_n3A_771 : vector<16xf32>
      %eq3A_773 = arith.constant 12 : i32
      %eq3A_774 = vector.broadcast %eq3A_773 : i32 to vector<16xi32>
      %eq3A_775 = arith.cmpi eq, %select_n3A_393, %eq3A_774 : vector<16xi32>
      %jit3A_776 = arith.constant 1.000000e+00 : f32
      %jit3A_777 = arith.constant 0.000000e+00 : f32
      %broadcast_in_dim3A_778 = vector.broadcast %jit3A_776 : f32 to vector<16xf32>
      %broadcast_in_dim3A_779 = vector.broadcast %jit3A_777 : f32 to vector<16xf32>
      %select_n3A_780 = arith.select %eq3A_775, %broadcast_in_dim3A_778, %broadcast_in_dim3A_779 : vector<16xi1>, vector<16xf32>
      %add3A_781 = arith.addf %scan3A_219, %select_n3A_780 : vector<16xf32>
      %eq3A_782 = arith.constant 12 : i32
      %eq3A_783 = vector.broadcast %eq3A_782 : i32 to vector<16xi32>
      %eq3A_784 = arith.cmpi eq, %select_n3A_539, %eq3A_783 : vector<16xi32>
      %jit3A_785 = arith.constant 1.000000e+00 : f32
      %jit3A_786 = arith.constant 0.000000e+00 : f32
      %broadcast_in_dim3A_787 = vector.broadcast %jit3A_785 : f32 to vector<16xf32>
      %broadcast_in_dim3A_788 = vector.broadcast %jit3A_786 : f32 to vector<16xf32>
      %select_n3A_789 = arith.select %eq3A_784, %broadcast_in_dim3A_787, %broadcast_in_dim3A_788 : vector<16xi1>, vector<16xf32>
      %add3A_790 = arith.addf %add3A_781, %select_n3A_789 : vector<16xf32>
      %eq3A_791 = arith.constant 13 : i32
      %eq3A_792 = vector.broadcast %eq3A_791 : i32 to vector<16xi32>
      %eq3A_793 = arith.cmpi eq, %select_n3A_393, %eq3A_792 : vector<16xi32>
      %jit3A_794 = arith.constant 1.000000e+00 : f32
      %jit3A_795 = arith.constant 0.000000e+00 : f32
      %broadcast_in_dim3A_796 = vector.broadcast %jit3A_794 : f32 to vector<16xf32>
      %broadcast_in_dim3A_797 = vector.broadcast %jit3A_795 : f32 to vector<16xf32>
      %select_n3A_798 = arith.select %eq3A_793, %broadcast_in_dim3A_796, %broadcast_in_dim3A_797 : vector<16xi1>, vector<16xf32>
      %add3A_799 = arith.addf %scan3A_220, %select_n3A_798 : vector<16xf32>
      %eq3A_800 = arith.constant 13 : i32
      %eq3A_801 = vector.broadcast %eq3A_800 : i32 to vector<16xi32>
      %eq3A_802 = arith.cmpi eq, %select_n3A_539, %eq3A_801 : vector<16xi32>
      %jit3A_803 = arith.constant 1.000000e+00 : f32
      %jit3A_804 = arith.constant 0.000000e+00 : f32
      %broadcast_in_dim3A_805 = vector.broadcast %jit3A_803 : f32 to vector<16xf32>
      %broadcast_in_dim3A_806 = vector.broadcast %jit3A_804 : f32 to vector<16xf32>
      %select_n3A_807 = arith.select %eq3A_802, %broadcast_in_dim3A_805, %broadcast_in_dim3A_806 : vector<16xi1>, vector<16xf32>
      %add3A_808 = arith.addf %add3A_799, %select_n3A_807 : vector<16xf32>
      %eq3A_809 = arith.constant 14 : i32
      %eq3A_810 = vector.broadcast %eq3A_809 : i32 to vector<16xi32>
      %eq3A_811 = arith.cmpi eq, %select_n3A_393, %eq3A_810 : vector<16xi32>
      %jit3A_812 = arith.constant 1.000000e+00 : f32
      %jit3A_813 = arith.constant 0.000000e+00 : f32
      %broadcast_in_dim3A_814 = vector.broadcast %jit3A_812 : f32 to vector<16xf32>
      %broadcast_in_dim3A_815 = vector.broadcast %jit3A_813 : f32 to vector<16xf32>
      %select_n3A_816 = arith.select %eq3A_811, %broadcast_in_dim3A_814, %broadcast_in_dim3A_815 : vector<16xi1>, vector<16xf32>
      %add3A_817 = arith.addf %scan3A_221, %select_n3A_816 : vector<16xf32>
      %eq3A_818 = arith.constant 14 : i32
      %eq3A_819 = vector.broadcast %eq3A_818 : i32 to vector<16xi32>
      %eq3A_820 = arith.cmpi eq, %select_n3A_539, %eq3A_819 : vector<16xi32>
      %jit3A_821 = arith.constant 1.000000e+00 : f32
      %jit3A_822 = arith.constant 0.000000e+00 : f32
      %broadcast_in_dim3A_823 = vector.broadcast %jit3A_821 : f32 to vector<16xf32>
      %broadcast_in_dim3A_824 = vector.broadcast %jit3A_822 : f32 to vector<16xf32>
      %select_n3A_825 = arith.select %eq3A_820, %broadcast_in_dim3A_823, %broadcast_in_dim3A_824 : vector<16xi1>, vector<16xf32>
      %add3A_826 = arith.addf %add3A_817, %select_n3A_825 : vector<16xf32>
      %eq3A_827 = arith.constant 15 : i32
      %eq3A_828 = vector.broadcast %eq3A_827 : i32 to vector<16xi32>
      %eq3A_829 = arith.cmpi eq, %select_n3A_393, %eq3A_828 : vector<16xi32>
      %jit3A_830 = arith.constant 1.000000e+00 : f32
      %jit3A_831 = arith.constant 0.000000e+00 : f32
      %broadcast_in_dim3A_832 = vector.broadcast %jit3A_830 : f32 to vector<16xf32>
      %broadcast_in_dim3A_833 = vector.broadcast %jit3A_831 : f32 to vector<16xf32>
      %select_n3A_834 = arith.select %eq3A_829, %broadcast_in_dim3A_832, %broadcast_in_dim3A_833 : vector<16xi1>, vector<16xf32>
      %add3A_835 = arith.addf %scan3A_222, %select_n3A_834 : vector<16xf32>
      %eq3A_836 = arith.constant 15 : i32
      %eq3A_837 = vector.broadcast %eq3A_836 : i32 to vector<16xi32>
      %eq3A_838 = arith.cmpi eq, %select_n3A_539, %eq3A_837 : vector<16xi32>
      %jit3A_839 = arith.constant 1.000000e+00 : f32
      %jit3A_840 = arith.constant 0.000000e+00 : f32
      %broadcast_in_dim3A_841 = vector.broadcast %jit3A_839 : f32 to vector<16xf32>
      %broadcast_in_dim3A_842 = vector.broadcast %jit3A_840 : f32 to vector<16xf32>
      %select_n3A_843 = arith.select %eq3A_838, %broadcast_in_dim3A_841, %broadcast_in_dim3A_842 : vector<16xi1>, vector<16xf32>
      %add3A_844 = arith.addf %add3A_835, %select_n3A_843 : vector<16xf32>
      %add3A_845 = arith.addf %scan3A_223, %get3A_244 : vector<16xf32>
      %add3A_846 = arith.addf %scan3A_224, %get3A_249 : vector<16xf32>
      %add3A_847 = arith.addf %scan3A_225, %get3A_254 : vector<16xf32>
      %add3A_848 = arith.addf %scan3A_226, %get3A_259 : vector<16xf32>
      %add3A_849 = arith.addf %scan3A_227, %get3A_264 : vector<16xf32>
      %add3A_850 = arith.addf %scan3A_228, %get3A_269 : vector<16xf32>
      %add3A_851 = arith.addf %scan3A_229, %get3A_274 : vector<16xf32>
      %add3A_852 = arith.addf %scan3A_230, %get3A_279 : vector<16xf32>
      %add3A_853 = arith.addf %scan3A_231, %get3A_284 : vector<16xf32>
      %add3A_854 = arith.addf %scan3A_232, %get3A_289 : vector<16xf32>
      %add3A_855 = arith.addf %scan3A_233, %get3A_294 : vector<16xf32>
      %add3A_856 = arith.addf %scan3A_234, %get3A_299 : vector<16xf32>
      %add3A_857 = arith.addf %scan3A_235, %get3A_304 : vector<16xf32>
      %add3A_858 = arith.addf %scan3A_236, %get3A_309 : vector<16xf32>
      %add3A_859 = arith.addf %scan3A_237, %get3A_314 : vector<16xf32>
      %add3A_860 = arith.addf %scan3A_238, %get3A_319 : vector<16xf32>
      scf.yield %add3A_574, %add3A_592, %add3A_610, %add3A_628, %add3A_646, %add3A_664, %add3A_682, %add3A_700, %add3A_718, %add3A_736, %add3A_754, %add3A_772, %add3A_790, %add3A_808, %add3A_826, %add3A_844, %add3A_845, %add3A_846, %add3A_847, %add3A_848, %add3A_849, %add3A_850, %add3A_851, %add3A_852, %add3A_853, %add3A_854, %add3A_855, %add3A_856, %add3A_857, %add3A_858, %add3A_859, %add3A_860 : vector<16xf32>, vector<16xf32>, vector<16xf32>, vector<16xf32>, vector<16xf32>, vector<16xf32>, vector<16xf32>, vector<16xf32>, vector<16xf32>, vector<16xf32>, vector<16xf32>, vector<16xf32>, vector<16xf32>, vector<16xf32>, vector<16xf32>, vector<16xf32>, vector<16xf32>, vector<16xf32>, vector<16xf32>, vector<16xf32>, vector<16xf32>, vector<16xf32>, vector<16xf32>, vector<16xf32>, vector<16xf32>, vector<16xf32>, vector<16xf32>, vector<16xf32>, vector<16xf32>, vector<16xf32>, vector<16xf32>, vector<16xf32>
    }
    %scan3A_14 = arith.constant 32 : i32
    %swap3A = arith.constant 0 : i32
    %swap3A_15 = arith.index_cast %swap3A : i32 to index
    %swap3A_16 = arith.constant 0 : index
    %swap3A_17 = tpu.vector_load %arg13[%swap3A_15, %swap3A_16] {strides = array<i32>} : memref<32x16xf32, #tpu.memory_space<vmem>>, vector<1x16xf32>,
    %swap3A_18 = vector.shape_cast %swap3A_17 : vector<1x16xf32> to vector<16xf32>
    %swap3A_19 = vector.shape_cast %scan3A_13#0 : vector<16xf32> to vector<1x16xf32>
    tpu.vector_store %arg13[%swap3A_15, %swap3A_16], %swap3A_19 {strides = array<i32>} : memref<32x16xf32, #tpu.memory_space<vmem>>, vector<1x16xf32>,
    %swap3A_20 = arith.constant 16 : i32
    %swap3A_21 = arith.index_cast %swap3A_20 : i32 to index
    %swap3A_22 = arith.constant 0 : index
    %swap3A_23 = tpu.vector_load %arg13[%swap3A_21, %swap3A_22] {strides = array<i32>} : memref<32x16xf32, #tpu.memory_space<vmem>>, vector<1x16xf32>,
    %swap3A_24 = vector.shape_cast %swap3A_23 : vector<1x16xf32> to vector<16xf32>
    %swap3A_25 = vector.shape_cast %scan3A_13#16 : vector<16xf32> to vector<1x16xf32>
    tpu.vector_store %arg13[%swap3A_21, %swap3A_22], %swap3A_25 {strides = array<i32>} : memref<32x16xf32, #tpu.memory_space<vmem>>, vector<1x16xf32>,
    %swap3A_26 = arith.constant 1 : i32
    %swap3A_27 = arith.index_cast %swap3A_26 : i32 to index
    %swap3A_28 = arith.constant 0 : index
    %swap3A_29 = tpu.vector_load %arg13[%swap3A_27, %swap3A_28] {strides = array<i32>} : memref<32x16xf32, #tpu.memory_space<vmem>>, vector<1x16xf32>,
    %swap3A_30 = vector.shape_cast %swap3A_29 : vector<1x16xf32> to vector<16xf32>
    %swap3A_31 = vector.shape_cast %scan3A_13#1 : vector<16xf32> to vector<1x16xf32>
    tpu.vector_store %arg13[%swap3A_27, %swap3A_28], %swap3A_31 {strides = array<i32>} : memref<32x16xf32, #tpu.memory_space<vmem>>, vector<1x16xf32>,
    %swap3A_32 = arith.constant 17 : i32
    %swap3A_33 = arith.index_cast %swap3A_32 : i32 to index
    %swap3A_34 = arith.constant 0 : index
    %swap3A_35 = tpu.vector_load %arg13[%swap3A_33, %swap3A_34] {strides = array<i32>} : memref<32x16xf32, #tpu.memory_space<vmem>>, vector<1x16xf32>,
    %swap3A_36 = vector.shape_cast %swap3A_35 : vector<1x16xf32> to vector<16xf32>
    %swap3A_37 = vector.shape_cast %scan3A_13#17 : vector<16xf32> to vector<1x16xf32>
    tpu.vector_store %arg13[%swap3A_33, %swap3A_34], %swap3A_37 {strides = array<i32>} : memref<32x16xf32, #tpu.memory_space<vmem>>, vector<1x16xf32>,
    %swap3A_38 = arith.constant 2 : i32
    %swap3A_39 = arith.index_cast %swap3A_38 : i32 to index
    %swap3A_40 = arith.constant 0 : index
    %swap3A_41 = tpu.vector_load %arg13[%swap3A_39, %swap3A_40] {strides = array<i32>} : memref<32x16xf32, #tpu.memory_space<vmem>>, vector<1x16xf32>,
    %swap3A_42 = vector.shape_cast %swap3A_41 : vector<1x16xf32> to vector<16xf32>
    %swap3A_43 = vector.shape_cast %scan3A_13#2 : vector<16xf32> to vector<1x16xf32>
    tpu.vector_store %arg13[%swap3A_39, %swap3A_40], %swap3A_43 {strides = array<i32>} : memref<32x16xf32, #tpu.memory_space<vmem>>, vector<1x16xf32>,
    %swap3A_44 = arith.constant 18 : i32
    %swap3A_45 = arith.index_cast %swap3A_44 : i32 to index
    %swap3A_46 = arith.constant 0 : index
    %swap3A_47 = tpu.vector_load %arg13[%swap3A_45, %swap3A_46] {strides = array<i32>} : memref<32x16xf32, #tpu.memory_space<vmem>>, vector<1x16xf32>,
    %swap3A_48 = vector.shape_cast %swap3A_47 : vector<1x16xf32> to vector<16xf32>
    %swap3A_49 = vector.shape_cast %scan3A_13#18 : vector<16xf32> to vector<1x16xf32>
    tpu.vector_store %arg13[%swap3A_45, %swap3A_46], %swap3A_49 {strides = array<i32>} : memref<32x16xf32, #tpu.memory_space<vmem>>, vector<1x16xf32>,
    %swap3A_50 = arith.constant 3 : i32
    %swap3A_51 = arith.index_cast %swap3A_50 : i32 to index
    %swap3A_52 = arith.constant 0 : index
    %swap3A_53 = tpu.vector_load %arg13[%swap3A_51, %swap3A_52] {strides = array<i32>} : memref<32x16xf32, #tpu.memory_space<vmem>>, vector<1x16xf32>,
    %swap3A_54 = vector.shape_cast %swap3A_53 : vector<1x16xf32> to vector<16xf32>
    %swap3A_55 = vector.shape_cast %scan3A_13#3 : vector<16xf32> to vector<1x16xf32>
    tpu.vector_store %arg13[%swap3A_51, %swap3A_52], %swap3A_55 {strides = array<i32>} : memref<32x16xf32, #tpu.memory_space<vmem>>, vector<1x16xf32>,
    %swap3A_56 = arith.constant 19 : i32
    %swap3A_57 = arith.index_cast %swap3A_56 : i32 to index
    %swap3A_58 = arith.constant 0 : index
    %swap3A_59 = tpu.vector_load %arg13[%swap3A_57, %swap3A_58] {strides = array<i32>} : memref<32x16xf32, #tpu.memory_space<vmem>>, vector<1x16xf32>,
    %swap3A_60 = vector.shape_cast %swap3A_59 : vector<1x16xf32> to vector<16xf32>
    %swap3A_61 = vector.shape_cast %scan3A_13#19 : vector<16xf32> to vector<1x16xf32>
    tpu.vector_store %arg13[%swap3A_57, %swap3A_58], %swap3A_61 {strides = array<i32>} : memref<32x16xf32, #tpu.memory_space<vmem>>, vector<1x16xf32>,
    %swap3A_62 = arith.constant 4 : i32
    %swap3A_63 = arith.index_cast %swap3A_62 : i32 to index
    %swap3A_64 = arith.constant 0 : index
    %swap3A_65 = tpu.vector_load %arg13[%swap3A_63, %swap3A_64] {strides = array<i32>} : memref<32x16xf32, #tpu.memory_space<vmem>>, vector<1x16xf32>,
    %swap3A_66 = vector.shape_cast %swap3A_65 : vector<1x16xf32> to vector<16xf32>
    %swap3A_67 = vector.shape_cast %scan3A_13#4 : vector<16xf32> to vector<1x16xf32>
    tpu.vector_store %arg13[%swap3A_63, %swap3A_64], %swap3A_67 {strides = array<i32>} : memref<32x16xf32, #tpu.memory_space<vmem>>, vector<1x16xf32>,
    %swap3A_68 = arith.constant 20 : i32
    %swap3A_69 = arith.index_cast %swap3A_68 : i32 to index
    %swap3A_70 = arith.constant 0 : index
    %swap3A_71 = tpu.vector_load %arg13[%swap3A_69, %swap3A_70] {strides = array<i32>} : memref<32x16xf32, #tpu.memory_space<vmem>>, vector<1x16xf32>,
    %swap3A_72 = vector.shape_cast %swap3A_71 : vector<1x16xf32> to vector<16xf32>
    %swap3A_73 = vector.shape_cast %scan3A_13#20 : vector<16xf32> to vector<1x16xf32>
    tpu.vector_store %arg13[%swap3A_69, %swap3A_70], %swap3A_73 {strides = array<i32>} : memref<32x16xf32, #tpu.memory_space<vmem>>, vector<1x16xf32>,
    %swap3A_74 = arith.constant 5 : i32
    %swap3A_75 = arith.index_cast %swap3A_74 : i32 to index
    %swap3A_76 = arith.constant 0 : index
    %swap3A_77 = tpu.vector_load %arg13[%swap3A_75, %swap3A_76] {strides = array<i32>} : memref<32x16xf32, #tpu.memory_space<vmem>>, vector<1x16xf32>,
    %swap3A_78 = vector.shape_cast %swap3A_77 : vector<1x16xf32> to vector<16xf32>
    %swap3A_79 = vector.shape_cast %scan3A_13#5 : vector<16xf32> to vector<1x16xf32>
    tpu.vector_store %arg13[%swap3A_75, %swap3A_76], %swap3A_79 {strides = array<i32>} : memref<32x16xf32, #tpu.memory_space<vmem>>, vector<1x16xf32>,
    %swap3A_80 = arith.constant 21 : i32
    %swap3A_81 = arith.index_cast %swap3A_80 : i32 to index
    %swap3A_82 = arith.constant 0 : index
    %swap3A_83 = tpu.vector_load %arg13[%swap3A_81, %swap3A_82] {strides = array<i32>} : memref<32x16xf32, #tpu.memory_space<vmem>>, vector<1x16xf32>,
    %swap3A_84 = vector.shape_cast %swap3A_83 : vector<1x16xf32> to vector<16xf32>
    %swap3A_85 = vector.shape_cast %scan3A_13#21 : vector<16xf32> to vector<1x16xf32>
    tpu.vector_store %arg13[%swap3A_81, %swap3A_82], %swap3A_85 {strides = array<i32>} : memref<32x16xf32, #tpu.memory_space<vmem>>, vector<1x16xf32>,
    %swap3A_86 = arith.constant 6 : i32
    %swap3A_87 = arith.index_cast %swap3A_86 : i32 to index
    %swap3A_88 = arith.constant 0 : index
    %swap3A_89 = tpu.vector_load %arg13[%swap3A_87, %swap3A_88] {strides = array<i32>} : memref<32x16xf32, #tpu.memory_space<vmem>>, vector<1x16xf32>,
    %swap3A_90 = vector.shape_cast %swap3A_89 : vector<1x16xf32> to vector<16xf32>
    %swap3A_91 = vector.shape_cast %scan3A_13#6 : vector<16xf32> to vector<1x16xf32>
    tpu.vector_store %arg13[%swap3A_87, %swap3A_88], %swap3A_91 {strides = array<i32>} : memref<32x16xf32, #tpu.memory_space<vmem>>, vector<1x16xf32>,
    %swap3A_92 = arith.constant 22 : i32
    %swap3A_93 = arith.index_cast %swap3A_92 : i32 to index
    %swap3A_94 = arith.constant 0 : index
    %swap3A_95 = tpu.vector_load %arg13[%swap3A_93, %swap3A_94] {strides = array<i32>} : memref<32x16xf32, #tpu.memory_space<vmem>>, vector<1x16xf32>,
    %swap3A_96 = vector.shape_cast %swap3A_95 : vector<1x16xf32> to vector<16xf32>
    %swap3A_97 = vector.shape_cast %scan3A_13#22 : vector<16xf32> to vector<1x16xf32>
    tpu.vector_store %arg13[%swap3A_93, %swap3A_94], %swap3A_97 {strides = array<i32>} : memref<32x16xf32, #tpu.memory_space<vmem>>, vector<1x16xf32>,
    %swap3A_98 = arith.constant 7 : i32
    %swap3A_99 = arith.index_cast %swap3A_98 : i32 to index
    %swap3A_100 = arith.constant 0 : index
    %swap3A_101 = tpu.vector_load %arg13[%swap3A_99, %swap3A_100] {strides = array<i32>} : memref<32x16xf32, #tpu.memory_space<vmem>>, vector<1x16xf32>,
    %swap3A_102 = vector.shape_cast %swap3A_101 : vector<1x16xf32> to vector<16xf32>
    %swap3A_103 = vector.shape_cast %scan3A_13#7 : vector<16xf32> to vector<1x16xf32>
    tpu.vector_store %arg13[%swap3A_99, %swap3A_100], %swap3A_103 {strides = array<i32>} : memref<32x16xf32, #tpu.memory_space<vmem>>, vector<1x16xf32>,
    %swap3A_104 = arith.constant 23 : i32
    %swap3A_105 = arith.index_cast %swap3A_104 : i32 to index
    %swap3A_106 = arith.constant 0 : index
    %swap3A_107 = tpu.vector_load %arg13[%swap3A_105, %swap3A_106] {strides = array<i32>} : memref<32x16xf32, #tpu.memory_space<vmem>>, vector<1x16xf32>,
    %swap3A_108 = vector.shape_cast %swap3A_107 : vector<1x16xf32> to vector<16xf32>
    %swap3A_109 = vector.shape_cast %scan3A_13#23 : vector<16xf32> to vector<1x16xf32>
    tpu.vector_store %arg13[%swap3A_105, %swap3A_106], %swap3A_109 {strides = array<i32>} : memref<32x16xf32, #tpu.memory_space<vmem>>, vector<1x16xf32>,
    %swap3A_110 = arith.constant 8 : i32
    %swap3A_111 = arith.index_cast %swap3A_110 : i32 to index
    %swap3A_112 = arith.constant 0 : index
    %swap3A_113 = tpu.vector_load %arg13[%swap3A_111, %swap3A_112] {strides = array<i32>} : memref<32x16xf32, #tpu.memory_space<vmem>>, vector<1x16xf32>,
    %swap3A_114 = vector.shape_cast %swap3A_113 : vector<1x16xf32> to vector<16xf32>
    %swap3A_115 = vector.shape_cast %scan3A_13#8 : vector<16xf32> to vector<1x16xf32>
    tpu.vector_store %arg13[%swap3A_111, %swap3A_112], %swap3A_115 {strides = array<i32>} : memref<32x16xf32, #tpu.memory_space<vmem>>, vector<1x16xf32>,
    %swap3A_116 = arith.constant 24 : i32
    %swap3A_117 = arith.index_cast %swap3A_116 : i32 to index
    %swap3A_118 = arith.constant 0 : index
    %swap3A_119 = tpu.vector_load %arg13[%swap3A_117, %swap3A_118] {strides = array<i32>} : memref<32x16xf32, #tpu.memory_space<vmem>>, vector<1x16xf32>,
    %swap3A_120 = vector.shape_cast %swap3A_119 : vector<1x16xf32> to vector<16xf32>
    %swap3A_121 = vector.shape_cast %scan3A_13#24 : vector<16xf32> to vector<1x16xf32>
    tpu.vector_store %arg13[%swap3A_117, %swap3A_118], %swap3A_121 {strides = array<i32>} : memref<32x16xf32, #tpu.memory_space<vmem>>, vector<1x16xf32>,
    %swap3A_122 = arith.constant 9 : i32
    %swap3A_123 = arith.index_cast %swap3A_122 : i32 to index
    %swap3A_124 = arith.constant 0 : index
    %swap3A_125 = tpu.vector_load %arg13[%swap3A_123, %swap3A_124] {strides = array<i32>} : memref<32x16xf32, #tpu.memory_space<vmem>>, vector<1x16xf32>,
    %swap3A_126 = vector.shape_cast %swap3A_125 : vector<1x16xf32> to vector<16xf32>
    %swap3A_127 = vector.shape_cast %scan3A_13#9 : vector<16xf32> to vector<1x16xf32>
    tpu.vector_store %arg13[%swap3A_123, %swap3A_124], %swap3A_127 {strides = array<i32>} : memref<32x16xf32, #tpu.memory_space<vmem>>, vector<1x16xf32>,
    %swap3A_128 = arith.constant 25 : i32
    %swap3A_129 = arith.index_cast %swap3A_128 : i32 to index
    %swap3A_130 = arith.constant 0 : index
    %swap3A_131 = tpu.vector_load %arg13[%swap3A_129, %swap3A_130] {strides = array<i32>} : memref<32x16xf32, #tpu.memory_space<vmem>>, vector<1x16xf32>,
    %swap3A_132 = vector.shape_cast %swap3A_131 : vector<1x16xf32> to vector<16xf32>
    %swap3A_133 = vector.shape_cast %scan3A_13#25 : vector<16xf32> to vector<1x16xf32>
    tpu.vector_store %arg13[%swap3A_129, %swap3A_130], %swap3A_133 {strides = array<i32>} : memref<32x16xf32, #tpu.memory_space<vmem>>, vector<1x16xf32>,
    %swap3A_134 = arith.constant 10 : i32
    %swap3A_135 = arith.index_cast %swap3A_134 : i32 to index
    %swap3A_136 = arith.constant 0 : index
    %swap3A_137 = tpu.vector_load %arg13[%swap3A_135, %swap3A_136] {strides = array<i32>} : memref<32x16xf32, #tpu.memory_space<vmem>>, vector<1x16xf32>,
    %swap3A_138 = vector.shape_cast %swap3A_137 : vector<1x16xf32> to vector<16xf32>
    %swap3A_139 = vector.shape_cast %scan3A_13#10 : vector<16xf32> to vector<1x16xf32>
    tpu.vector_store %arg13[%swap3A_135, %swap3A_136], %swap3A_139 {strides = array<i32>} : memref<32x16xf32, #tpu.memory_space<vmem>>, vector<1x16xf32>,
    %swap3A_140 = arith.constant 26 : i32
    %swap3A_141 = arith.index_cast %swap3A_140 : i32 to index
    %swap3A_142 = arith.constant 0 : index
    %swap3A_143 = tpu.vector_load %arg13[%swap3A_141, %swap3A_142] {strides = array<i32>} : memref<32x16xf32, #tpu.memory_space<vmem>>, vector<1x16xf32>,
    %swap3A_144 = vector.shape_cast %swap3A_143 : vector<1x16xf32> to vector<16xf32>
    %swap3A_145 = vector.shape_cast %scan3A_13#26 : vector<16xf32> to vector<1x16xf32>
    tpu.vector_store %arg13[%swap3A_141, %swap3A_142], %swap3A_145 {strides = array<i32>} : memref<32x16xf32, #tpu.memory_space<vmem>>, vector<1x16xf32>,
    %swap3A_146 = arith.constant 11 : i32
    %swap3A_147 = arith.index_cast %swap3A_146 : i32 to index
    %swap3A_148 = arith.constant 0 : index
    %swap3A_149 = tpu.vector_load %arg13[%swap3A_147, %swap3A_148] {strides = array<i32>} : memref<32x16xf32, #tpu.memory_space<vmem>>, vector<1x16xf32>,
    %swap3A_150 = vector.shape_cast %swap3A_149 : vector<1x16xf32> to vector<16xf32>
    %swap3A_151 = vector.shape_cast %scan3A_13#11 : vector<16xf32> to vector<1x16xf32>
    tpu.vector_store %arg13[%swap3A_147, %swap3A_148], %swap3A_151 {strides = array<i32>} : memref<32x16xf32, #tpu.memory_space<vmem>>, vector<1x16xf32>,
    %swap3A_152 = arith.constant 27 : i32
    %swap3A_153 = arith.index_cast %swap3A_152 : i32 to index
    %swap3A_154 = arith.constant 0 : index
    %swap3A_155 = tpu.vector_load %arg13[%swap3A_153, %swap3A_154] {strides = array<i32>} : memref<32x16xf32, #tpu.memory_space<vmem>>, vector<1x16xf32>,
    %swap3A_156 = vector.shape_cast %swap3A_155 : vector<1x16xf32> to vector<16xf32>
    %swap3A_157 = vector.shape_cast %scan3A_13#27 : vector<16xf32> to vector<1x16xf32>
    tpu.vector_store %arg13[%swap3A_153, %swap3A_154], %swap3A_157 {strides = array<i32>} : memref<32x16xf32, #tpu.memory_space<vmem>>, vector<1x16xf32>,
    %swap3A_158 = arith.constant 12 : i32
    %swap3A_159 = arith.index_cast %swap3A_158 : i32 to index
    %swap3A_160 = arith.constant 0 : index
    %swap3A_161 = tpu.vector_load %arg13[%swap3A_159, %swap3A_160] {strides = array<i32>} : memref<32x16xf32, #tpu.memory_space<vmem>>, vector<1x16xf32>,
    %swap3A_162 = vector.shape_cast %swap3A_161 : vector<1x16xf32> to vector<16xf32>
    %swap3A_163 = vector.shape_cast %scan3A_13#12 : vector<16xf32> to vector<1x16xf32>
    tpu.vector_store %arg13[%swap3A_159, %swap3A_160], %swap3A_163 {strides = array<i32>} : memref<32x16xf32, #tpu.memory_space<vmem>>, vector<1x16xf32>,
    %swap3A_164 = arith.constant 28 : i32
    %swap3A_165 = arith.index_cast %swap3A_164 : i32 to index
    %swap3A_166 = arith.constant 0 : index
    %swap3A_167 = tpu.vector_load %arg13[%swap3A_165, %swap3A_166] {strides = array<i32>} : memref<32x16xf32, #tpu.memory_space<vmem>>, vector<1x16xf32>,
    %swap3A_168 = vector.shape_cast %swap3A_167 : vector<1x16xf32> to vector<16xf32>
    %swap3A_169 = vector.shape_cast %scan3A_13#28 : vector<16xf32> to vector<1x16xf32>
    tpu.vector_store %arg13[%swap3A_165, %swap3A_166], %swap3A_169 {strides = array<i32>} : memref<32x16xf32, #tpu.memory_space<vmem>>, vector<1x16xf32>,
    %swap3A_170 = arith.constant 13 : i32
    %swap3A_171 = arith.index_cast %swap3A_170 : i32 to index
    %swap3A_172 = arith.constant 0 : index
    %swap3A_173 = tpu.vector_load %arg13[%swap3A_171, %swap3A_172] {strides = array<i32>} : memref<32x16xf32, #tpu.memory_space<vmem>>, vector<1x16xf32>,
    %swap3A_174 = vector.shape_cast %swap3A_173 : vector<1x16xf32> to vector<16xf32>
    %swap3A_175 = vector.shape_cast %scan3A_13#13 : vector<16xf32> to vector<1x16xf32>
    tpu.vector_store %arg13[%swap3A_171, %swap3A_172], %swap3A_175 {strides = array<i32>} : memref<32x16xf32, #tpu.memory_space<vmem>>, vector<1x16xf32>,
    %swap3A_176 = arith.constant 29 : i32
    %swap3A_177 = arith.index_cast %swap3A_176 : i32 to index
    %swap3A_178 = arith.constant 0 : index
    %swap3A_179 = tpu.vector_load %arg13[%swap3A_177, %swap3A_178] {strides = array<i32>} : memref<32x16xf32, #tpu.memory_space<vmem>>, vector<1x16xf32>,
    %swap3A_180 = vector.shape_cast %swap3A_179 : vector<1x16xf32> to vector<16xf32>
    %swap3A_181 = vector.shape_cast %scan3A_13#29 : vector<16xf32> to vector<1x16xf32>
    tpu.vector_store %arg13[%swap3A_177, %swap3A_178], %swap3A_181 {strides = array<i32>} : memref<32x16xf32, #tpu.memory_space<vmem>>, vector<1x16xf32>,
    %swap3A_182 = arith.constant 14 : i32
    %swap3A_183 = arith.index_cast %swap3A_182 : i32 to index
    %swap3A_184 = arith.constant 0 : index
    %swap3A_185 = tpu.vector_load %arg13[%swap3A_183, %swap3A_184] {strides = array<i32>} : memref<32x16xf32, #tpu.memory_space<vmem>>, vector<1x16xf32>,
    %swap3A_186 = vector.shape_cast %swap3A_185 : vector<1x16xf32> to vector<16xf32>
    %swap3A_187 = vector.shape_cast %scan3A_13#14 : vector<16xf32> to vector<1x16xf32>
    tpu.vector_store %arg13[%swap3A_183, %swap3A_184], %swap3A_187 {strides = array<i32>} : memref<32x16xf32, #tpu.memory_space<vmem>>, vector<1x16xf32>,
    %swap3A_188 = arith.constant 30 : i32
    %swap3A_189 = arith.index_cast %swap3A_188 : i32 to index
    %swap3A_190 = arith.constant 0 : index
    %swap3A_191 = tpu.vector_load %arg13[%swap3A_189, %swap3A_190] {strides = array<i32>} : memref<32x16xf32, #tpu.memory_space<vmem>>, vector<1x16xf32>,
    %swap3A_192 = vector.shape_cast %swap3A_191 : vector<1x16xf32> to vector<16xf32>
    %swap3A_193 = vector.shape_cast %scan3A_13#30 : vector<16xf32> to vector<1x16xf32>
    tpu.vector_store %arg13[%swap3A_189, %swap3A_190], %swap3A_193 {strides = array<i32>} : memref<32x16xf32, #tpu.memory_space<vmem>>, vector<1x16xf32>,
    %swap3A_194 = arith.constant 15 : i32
    %swap3A_195 = arith.index_cast %swap3A_194 : i32 to index
    %swap3A_196 = arith.constant 0 : index
    %swap3A_197 = tpu.vector_load %arg13[%swap3A_195, %swap3A_196] {strides = array<i32>} : memref<32x16xf32, #tpu.memory_space<vmem>>, vector<1x16xf32>,
    %swap3A_198 = vector.shape_cast %swap3A_197 : vector<1x16xf32> to vector<16xf32>
    %swap3A_199 = vector.shape_cast %scan3A_13#15 : vector<16xf32> to vector<1x16xf32>
    tpu.vector_store %arg13[%swap3A_195, %swap3A_196], %swap3A_199 {strides = array<i32>} : memref<32x16xf32, #tpu.memory_space<vmem>>, vector<1x16xf32>,
    %swap3A_200 = arith.constant 31 : i32
    %swap3A_201 = arith.index_cast %swap3A_200 : i32 to index
    %swap3A_202 = arith.constant 0 : index
    %swap3A_203 = tpu.vector_load %arg13[%swap3A_201, %swap3A_202] {strides = array<i32>} : memref<32x16xf32, #tpu.memory_space<vmem>>, vector<1x16xf32>,
    %swap3A_204 = vector.shape_cast %swap3A_203 : vector<1x16xf32> to vector<16xf32>
    %swap3A_205 = vector.shape_cast %scan3A_13#31 : vector<16xf32> to vector<1x16xf32>
    tpu.vector_store %arg13[%swap3A_201, %swap3A_202], %swap3A_205 {strides = array<i32>} : memref<32x16xf32, #tpu.memory_space<vmem>>, vector<1x16xf32>,
    "tpu.region"() ({
      %run_scoped3A = tpu.sem_alloc : memref<!tpu.dma_semaphore, #tpu.memory_space<semaphore_mem>>
      %dma_start3A_206 = tpu.memref_slice %arg3[%mul3A_2] : memref<16384xf32, #tpu.memory_space<hbm>> -> memref<512xf32, #tpu.memory_space<hbm>>
      %dma_start3A_207 = tpu.memref_slice %arg3[%mul3A_2] : memref<16384xf32, #tpu.memory_space<hbm>> -> memref<512xf32, #tpu.memory_space<hbm>>
      tpu.enqueue_dma source(%arg9 : memref<512xf32, #tpu.memory_space<vmem>>) target(%dma_start3A_207 : memref<512xf32, #tpu.memory_space<hbm>>) target_semaphore(%run_scoped3A : memref<!tpu.dma_semaphore, #tpu.memory_space<semaphore_mem>>)
      %dma_wait3A_208 = tpu.memref_slice %arg3[%mul3A_2] : memref<16384xf32, #tpu.memory_space<hbm>> -> memref<512xf32, #tpu.memory_space<hbm>>
      %dma_wait3A_209 = tpu.memref_slice %arg3[%mul3A_2] : memref<16384xf32, #tpu.memory_space<hbm>> -> memref<512xf32, #tpu.memory_space<hbm>>
      tpu.wait_dma2 semaphore(%run_scoped3A : memref<!tpu.dma_semaphore, #tpu.memory_space<semaphore_mem>>) src(%arg9 : memref<512xf32, #tpu.memory_space<vmem>>) dst(%dma_wait3A_209 : memref<512xf32, #tpu.memory_space<hbm>>)
      tpu.yield
    }) : () -> ()
    "tpu.region"() ({
      %run_scoped3A = tpu.sem_alloc : memref<!tpu.dma_semaphore, #tpu.memory_space<semaphore_mem>>
      %dma_start3A_206 = tpu.memref_slice %arg4[%mul3A_2] : memref<16384xf32, #tpu.memory_space<hbm>> -> memref<512xf32, #tpu.memory_space<hbm>>
      %dma_start3A_207 = tpu.memref_slice %arg4[%mul3A_2] : memref<16384xf32, #tpu.memory_space<hbm>> -> memref<512xf32, #tpu.memory_space<hbm>>
      tpu.enqueue_dma source(%arg10 : memref<512xf32, #tpu.memory_space<vmem>>) target(%dma_start3A_207 : memref<512xf32, #tpu.memory_space<hbm>>) target_semaphore(%run_scoped3A : memref<!tpu.dma_semaphore, #tpu.memory_space<semaphore_mem>>)
      %dma_wait3A_208 = tpu.memref_slice %arg4[%mul3A_2] : memref<16384xf32, #tpu.memory_space<hbm>> -> memref<512xf32, #tpu.memory_space<hbm>>
      %dma_wait3A_209 = tpu.memref_slice %arg4[%mul3A_2] : memref<16384xf32, #tpu.memory_space<hbm>> -> memref<512xf32, #tpu.memory_space<hbm>>
      tpu.wait_dma2 semaphore(%run_scoped3A : memref<!tpu.dma_semaphore, #tpu.memory_space<semaphore_mem>>) src(%arg10 : memref<512xf32, #tpu.memory_space<vmem>>) dst(%dma_wait3A_209 : memref<512xf32, #tpu.memory_space<hbm>>)
      tpu.yield
    }) : () -> ()
    "tpu.region"() ({
      %run_scoped3A = tpu.sem_alloc : memref<!tpu.dma_semaphore, #tpu.memory_space<semaphore_mem>>
      %dma_start3A_206 = tpu.memref_slice %arg5[%mul3A_2] : memref<16384xi32, #tpu.memory_space<hbm>> -> memref<512xi32, #tpu.memory_space<hbm>>
      %dma_start3A_207 = tpu.memref_slice %arg5[%mul3A_2] : memref<16384xi32, #tpu.memory_space<hbm>> -> memref<512xi32, #tpu.memory_space<hbm>>
      tpu.enqueue_dma source(%arg11 : memref<512xi32, #tpu.memory_space<vmem>>) target(%dma_start3A_207 : memref<512xi32, #tpu.memory_space<hbm>>) target_semaphore(%run_scoped3A : memref<!tpu.dma_semaphore, #tpu.memory_space<semaphore_mem>>)
      %dma_wait3A_208 = tpu.memref_slice %arg5[%mul3A_2] : memref<16384xi32, #tpu.memory_space<hbm>> -> memref<512xi32, #tpu.memory_space<hbm>>
      %dma_wait3A_209 = tpu.memref_slice %arg5[%mul3A_2] : memref<16384xi32, #tpu.memory_space<hbm>> -> memref<512xi32, #tpu.memory_space<hbm>>
      tpu.wait_dma2 semaphore(%run_scoped3A : memref<!tpu.dma_semaphore, #tpu.memory_space<semaphore_mem>>) src(%arg11 : memref<512xi32, #tpu.memory_space<vmem>>) dst(%dma_wait3A_209 : memref<512xi32, #tpu.memory_space<hbm>>)
      tpu.yield
    }) : () -> ()
    "tpu.region"() ({
      %run_scoped3A = tpu.sem_alloc : memref<!tpu.dma_semaphore, #tpu.memory_space<semaphore_mem>>
      %dma_start3A_206 = tpu.memref_slice %arg6[%mul3A_2] : memref<16384xi32, #tpu.memory_space<hbm>> -> memref<512xi32, #tpu.memory_space<hbm>>
      %dma_start3A_207 = tpu.memref_slice %arg6[%mul3A_2] : memref<16384xi32, #tpu.memory_space<hbm>> -> memref<512xi32, #tpu.memory_space<hbm>>
      tpu.enqueue_dma source(%arg12 : memref<512xi32, #tpu.memory_space<vmem>>) target(%dma_start3A_207 : memref<512xi32, #tpu.memory_space<hbm>>) target_semaphore(%run_scoped3A : memref<!tpu.dma_semaphore, #tpu.memory_space<semaphore_mem>>)
      %dma_wait3A_208 = tpu.memref_slice %arg6[%mul3A_2] : memref<16384xi32, #tpu.memory_space<hbm>> -> memref<512xi32, #tpu.memory_space<hbm>>
      %dma_wait3A_209 = tpu.memref_slice %arg6[%mul3A_2] : memref<16384xi32, #tpu.memory_space<hbm>> -> memref<512xi32, #tpu.memory_space<hbm>>
      tpu.wait_dma2 semaphore(%run_scoped3A : memref<!tpu.dma_semaphore, #tpu.memory_space<semaphore_mem>>) src(%arg12 : memref<512xi32, #tpu.memory_space<vmem>>) dst(%dma_wait3A_209 : memref<512xi32, #tpu.memory_space<hbm>>)
      tpu.yield
    }) : () -> ()
    "tpu.region"() ({
      %run_scoped3A = tpu.sem_alloc : memref<!tpu.dma_semaphore, #tpu.memory_space<semaphore_mem>>
      %dma_start3A_206 = arith.constant 0 : i32
      %dma_start3A_207 = arith.constant 0 : i32
      %dma_start3A_208 = tpu.memref_slice %arg7[%add3A, %dma_start3A_206, %dma_start3A_207] : memref<32x32x16xf32, #tpu.memory_space<hbm>> -> memref<1x32x16xf32, #tpu.memory_space<hbm>>
      %dma_start3A_209 = tpu.memref_squeeze %dma_start3A_208 : memref<1x32x16xf32, #tpu.memory_space<hbm>> -> memref<32x16xf32, #tpu.memory_space<hbm>>
      %dma_start3A_210 = arith.constant 0 : i32
      %dma_start3A_211 = arith.constant 0 : i32
      %dma_start3A_212 = tpu.memref_slice %arg7[%add3A, %dma_start3A_210, %dma_start3A_211] : memref<32x32x16xf32, #tpu.memory_space<hbm>> -> memref<1x32x16xf32, #tpu.memory_space<hbm>>
      %dma_start3A_213 = tpu.memref_squeeze %dma_start3A_212 : memref<1x32x16xf32, #tpu.memory_space<hbm>> -> memref<32x16xf32, #tpu.memory_space<hbm>>
      tpu.enqueue_dma source(%arg13 : memref<32x16xf32, #tpu.memory_space<vmem>>) target(%dma_start3A_213 : memref<32x16xf32, #tpu.memory_space<hbm>>) target_semaphore(%run_scoped3A : memref<!tpu.dma_semaphore, #tpu.memory_space<semaphore_mem>>)
      %dma_wait3A_214 = arith.constant 0 : i32
      %dma_wait3A_215 = arith.constant 0 : i32
      %dma_wait3A_216 = tpu.memref_slice %arg7[%add3A, %dma_wait3A_214, %dma_wait3A_215] : memref<32x32x16xf32, #tpu.memory_space<hbm>> -> memref<1x32x16xf32, #tpu.memory_space<hbm>>
      %dma_wait3A_217 = tpu.memref_squeeze %dma_wait3A_216 : memref<1x32x16xf32, #tpu.memory_space<hbm>> -> memref<32x16xf32, #tpu.memory_space<hbm>>
      %dma_wait3A_218 = arith.constant 0 : i32
      %dma_wait3A_219 = arith.constant 0 : i32
      %dma_wait3A_220 = tpu.memref_slice %arg7[%add3A, %dma_wait3A_218, %dma_wait3A_219] : memref<32x32x16xf32, #tpu.memory_space<hbm>> -> memref<1x32x16xf32, #tpu.memory_space<hbm>>
      %dma_wait3A_221 = tpu.memref_squeeze %dma_wait3A_220 : memref<1x32x16xf32, #tpu.memory_space<hbm>> -> memref<32x16xf32, #tpu.memory_space<hbm>>
      tpu.wait_dma2 semaphore(%run_scoped3A : memref<!tpu.dma_semaphore, #tpu.memory_space<semaphore_mem>>) src(%arg13 : memref<32x16xf32, #tpu.memory_space<vmem>>) dst(%dma_wait3A_221 : memref<32x16xf32, #tpu.memory_space<hbm>>)
      tpu.yield
    }) : () -> ()
    return
  }
}

module attributes {stable_mosaic.version = 14 : i64} {
  func.func @_dense_body(%arg0: i32, %arg1: memref<1024x2048xf32, #tpu.memory_space<vmem>>, %arg2: memref<2048x16xf32, #tpu.memory_space<vmem>>, %arg3: memref<16x1024xf32, #tpu.memory_space<vmem>>) attributes {dimension_semantics = [#tpu.dimension_semantics<arbitrary>], iteration_bounds = array<i64: 16>, scalar_prefetch = 0 : i64, scratch_operands = 0 : i64, tpu.core_type = #tpu.core_type<tc>, window_params = [{transform_indices = @transform_0, window_bounds = array<i64: 1024, 2048>}, {pipeline_mode = #tpu.pipeline_mode<synchronous>, transform_indices = @transform_1, window_bounds = array<i64: 2048, 16>}, {transform_indices = @transform_2, window_bounds = array<i64: 16, 1024>}]} {
    %get3A = arith.constant 0 : index
    %get3A_0 = arith.constant 0 : index
    %get3A_1 = vector.load %arg1[%get3A, %get3A_0] : memref<1024x2048xf32, #tpu.memory_space<vmem>>, vector<1024x2048xf32>
    %get3A_2 = arith.constant 0 : index
    %get3A_3 = arith.constant 0 : index
    %get3A_4 = vector.load %arg2[%get3A_2, %get3A_3] : memref<2048x16xf32, #tpu.memory_space<vmem>>, vector<2048x16xf32>
    %dot_general3A = arith.constant dense<0.000000e+00> : vector<1024x16xf32>
    %dot_general3A_5 = tpu.matmul %get3A_1, %get3A_4, %dot_general3A {dimension_numbers = #tpu.dot_dimension_numbers<[1], [0], [0], [1], [0, 0, 1, 1], [], []>, transpose_lhs_hint = false} : vector<1024x2048xf32>, vector<2048x16xf32>, vector<1024x16xf32> -> vector<1024x16xf32>
    %transpose3A = tpu.transpose %dot_general3A_5, [1, 0] : vector<1024x16xf32> -> vector<16x1024xf32>
    %reduce_max3A = arith.constant dense<0xFF800000> : vector<1024xf32>
    %reduce_max3A_6 = vector.multi_reduction <maximumf>, %transpose3A, %reduce_max3A [0] : vector<16x1024xf32> to vector<1024xf32>
    %broadcast_in_dim3A = vector.shape_cast %reduce_max3A_6 : vector<1024xf32> to vector<1x1024xf32>
    %sub3A = vector.broadcast %broadcast_in_dim3A : vector<1x1024xf32> to vector<16x1024xf32>
    %sub3A_7 = arith.subf %transpose3A, %sub3A : vector<16x1024xf32>
    %exp3A = math.exp %sub3A_7 : vector<16x1024xf32>
    %reduce_sum3A = arith.constant dense<0.000000e+00> : vector<1024xf32>
    %reduce_sum3A_8 = vector.multi_reduction <add>, %exp3A, %reduce_sum3A [0] : vector<16x1024xf32> to vector<1024xf32>
    %broadcast_in_dim3A_9 = vector.shape_cast %reduce_sum3A_8 : vector<1024xf32> to vector<1x1024xf32>
    %div3A = vector.broadcast %broadcast_in_dim3A_9 : vector<1x1024xf32> to vector<16x1024xf32>
    %div3A_10 = arith.divf %exp3A, %div3A : vector<16x1024xf32>
    %swap3A = arith.constant 0 : index
    %swap3A_11 = arith.constant 0 : index
    %swap3A_12 = vector.load %arg3[%swap3A, %swap3A_11] : memref<16x1024xf32, #tpu.memory_space<vmem>>, vector<16x1024xf32>
    tpu.vector_store %arg3[%swap3A, %swap3A_11], %div3A_10 {strides = array<i32>} : memref<16x1024xf32, #tpu.memory_space<vmem>>, vector<16x1024xf32>,
    return
  }
  func.func @transform_0(%arg0: i32) -> (i32, i32) {
    %c0_i32 = arith.constant 0 : i32
    %c0_i32_0 = arith.constant 0 : i32
    return %arg0, %c0_i32 : i32, i32
  }
  func.func @transform_1(%arg0: i32) -> (i32, i32) {
    %c0_i32 = arith.constant 0 : i32
    %c0_i32_0 = arith.constant 0 : i32
    %c0_i32_1 = arith.constant 0 : i32
    return %c0_i32, %c0_i32_0 : i32, i32
  }
  func.func @transform_2(%arg0: i32) -> (i32, i32) {
    %c0_i32 = arith.constant 0 : i32
    %c0_i32_0 = arith.constant 0 : i32
    return %c0_i32, %arg0 : i32, i32
  }
}

</mosaic_0001>

<sc_bundles>
// kernel: kernel.4.cloned.1.call-start
scs
__scs_entry_jumppad:
0x0: {  	(pc) =	sbr.rel $0x88, $3  }
0x1: {  	(tag) =	ssettag $0x0;
	lr =	simm.s32 $0x1  }
0x2: {  	[smem:$0x3F9F] =	sst lr;
	_ =	strace $0xD0000000  }
0x3: {  	_ = 	snop  }
0x4: {  	_ = 	snop  }
0x5: {  	_ = 	snop  }
0x6: {  	_ = 	snop  }
0x7: {  	_ = 	snop  }
__scs_overlays_trampoline_lowered:
0x8: {  	[smem:$0x3FAE] =	sst s0  }
0x9: {  	[smem:$0x3FAF] =	sst s1  }
0xa: {  	[smem:$0x3FB0] =	sst s2  }
0xb: {  	[smem:$0x3FB1] =	sst s3  }
0xc: {  	[smem:$0x3FB2] =	sst s4  }
0xd: {  	[smem:$0x3FB3] =	sst s5  }
0xe: {  	[smem:$0x3FB4] =	sst s6  }
0xf: {  	[smem:$0x3FB5] =	sst s7  }
0x10: {  	[smem:$0x3FB6] =	sst s8  }
0x11: {  	[smem:$0x3FB7] =	sst s9;
	s0 =	simm.s32 @!p0 $0x0  }
0x12: {  	s1 =	sld [smem:$0x3F9D];
	s0 =	simm.s32 @p0 $0x1  }
0x13: {  	[smem:$0x3FB8] =	sst s0;
	s0 =	simm.s32 @!p1 $0x0  }
0x14: {  	s2 =	sld [smem:$0x3F9C];
	s0 =	simm.s32 @p1 $0x1  }
0x15: {  	[smem:$0x3FB9] =	sst s0;
	s0 =	simm.s32 @!p2 $0x0  }
0x16: {  	s3 =	sld [smem:$0x3FDB];
	s0 =	simm.s32 @p2 $0x1  }
0x17: {  	s4 =	simm.s32 $0x1BF5;
	[smem:$0x3FBB] =	sst s0  }
0x18: {  	s0 =	sld [smem:$0x3F9E];
	_ =	swait.ge [sflag:s4], $0x0  }
0x19: {  	s7 =	sld [smem:$0x3F9F]  }
0x1a: {  	s8 =	sadd.s32 $0xFFFFE003, lr  }
0x1b: {  	s9 =	sadd.s32 $0xFFFFFEF7, lr;
	s5 =	simm.s32 $0xFFFFFFFF;
	p2 =	slt.u32 s8, $0xFFFFF086  }
0x1c: {  	p1 =	slt.u32 s9, $0xF7A;
	s5 =	simm.s32 @!p2 $0x0  }
0x1d: {  	s5 =	simm.s32 @p1 $0x1;
	p0 =	seq.s32 s7, s2  }
0x1e: {  	s7 =	smul.u32 @!p0 $0xF7A, s2;
	p2 =	seq.s32 @!p0 s5, $0x0  }
0x1f: {  	s9 =	smul.u32 $0xF7A, s1;
	s8 =	simm.s32 @!p0 $0x1BF5;
	p2 =	por !p2, p0  }
0x20: {  	[sflag:s8] =	ssyncset.s32 @!p0 $0xFFFFF086;
	s6 =	sadd.s32 @!p0 s3, s7;
	s7 =	simm.s32 @!p0 $0x108  }
0x21: {  	s3 =	sadd.s32 s3, s9;
	s6 =	sadd.s32 @!p0 $0x88, s6;
	s7 =	simm.s32 @p2 $0x1082  }
0x22: {  	[simem:s7], [sflag:s8] =	dma.local @!p0 [hbm:s6], $0xF7A  }
0x23: {  	s9 =	sor.u32 $0xD0000000, s2;
	s6 =	simm.s32 $0x108;
	_ =	swait.ge @!p0 [sflag:s8], $0x0  }
0x24: {  	s3 =	sadd.s32 $0x88, s3;
	s6 =	simm.s32 @!p1 $0x1082;
	[sflag:s4] =	ssyncset.s32 $0xFFFFF086  }
0x25: {  	[simem:s6], [sflag:s4] =	dma.local [hbm:s3], $0xF7A  }
0x26: {  	[smem:$0x3F9F] =	sst s1;
	(tag) =	ssettag s2;
	_ =	strace s9  }
0x27: {  	s1 =	sld [smem:$0x3FAF]  }
0x28: {  	s2 =	sld [smem:$0x3FB0]  }
0x29: {  	s4 =	sld [smem:$0x3FB2]  }
0x2a: {  	p0 =	seq.s32 s5, $0x0;
	s5 =	sld [smem:$0x3FB3]  }
0x2b: {  	s6 =	sld [smem:$0x3FB4]  }
0x2c: {  	s7 =	sld [smem:$0x3FB5]  }
0x2d: {  	s3 =	simm.s32 $0x108;
	s8 =	sld [smem:$0x3FB6]  }
0x2e: {  	s3 =	simm.s32 @!p0 $0x1082;
	s9 =	sld [smem:$0x3FB7]  }
0x2f: {  	lr =	sadd.s32 s0, s3;
	s0 =	sld [smem:$0x3FAE]  }
0x30: {  	s3 =	sld [smem:$0x3FB1]  }
0x31: {  	[smem:$0x3FBA] =	sst s10  }
0x32: {  	s10 =	sld [smem:$0x3FB8];
	_ =	sdelay $0x3  }
0x33: {  	p0 =	seq.s32 s10, $0x1;
	s10 =	sld [smem:$0x3FBA];
	_ =	sdelay $0x3  }
0x34: {  	[smem:$0x3FBA] =	sst s10  }
0x35: {  	s10 =	sld [smem:$0x3FB9];
	_ =	sdelay $0x3  }
0x36: {  	p1 =	seq.s32 s10, $0x1;
	s10 =	sld [smem:$0x3FBA];
	_ =	sdelay $0x3  }
0x37: {  	[smem:$0x3FBA] =	sst s10  }
0x38: {  	s10 =	sld [smem:$0x3FBB]  }
0x39: {  	_ = 	snop;
	(pc) =	sbr.ind lr, $3  }
0x3a: {  	_ = 	snop  }
0x3b: {  	_ = 	snop  }
0x3c: {  	p2 =	seq.s32 s10, $0x1;
	s10 =	sld [smem:$0x3FBA]  }
0x3d: {  	_ =	shalt  }
0x3e: {  	_ =	shalt  }
0x3f: {  	_ =	shalt  }
0x40: {  	_ =	shalt  }
0x41: {  	_ =	shalt  }
0x42: {  	_ =	shalt  }
0x43: {  	_ =	shalt  }
0x44: {  	_ =	shalt  }
0x45: {  	_ =	shalt  }
0x46: {  	_ =	shalt  }
0x47: {  	_ =	shalt  }
0x48: {  	_ =	shalt  }
0x49: {  	_ =	shalt  }
0x4a: {  	_ =	shalt  }
0x4b: {  	_ =	shalt  }
0x4c: {  	_ =	shalt  }
0x4d: {  	_ =	shalt  }
0x4e: {  	_ =	shalt  }
0x4f: {  	_ =	shalt  }
0x50: {  	_ =	shalt  }
0x51: {  	_ =	shalt  }
0x52: {  	_ =	shalt  }
0x53: {  	_ =	shalt  }
0x54: {  	_ =	shalt  }
0x55: {  	_ =	shalt  }
0x56: {  	_ =	shalt  }
0x57: {  	_ =	shalt  }
0x58: {  	_ =	shalt  }
0x59: {  	_ =	shalt  }
0x5a: {  	_ =	shalt  }
0x5b: {  	_ =	shalt  }
0x5c: {  	_ =	shalt  }
0x5d: {  	_ =	shalt  }
0x5e: {  	_ =	shalt  }
0x5f: {  	_ =	shalt  }
0x60: {  	_ =	shalt  }
0x61: {  	_ =	shalt  }
0x62: {  	_ =	shalt  }
0x63: {  	_ =	shalt  }
0x64: {  	_ =	shalt  }
0x65: {  	_ =	shalt  }
0x66: {  	_ =	shalt  }
0x67: {  	_ =	shalt  }
0x68: {  	_ =	shalt  }
0x69: {  	_ =	shalt  }
0x6a: {  	_ =	shalt  }
0x6b: {  	_ =	shalt  }
0x6c: {  	_ =	shalt  }
0x6d: {  	_ =	shalt  }
0x6e: {  	_ =	shalt  }
0x6f: {  	_ =	shalt  }
0x70: {  	_ =	shalt  }
0x71: {  	_ =	shalt  }
0x72: {  	_ =	shalt  }
0x73: {  	_ =	shalt  }
0x74: {  	_ =	shalt  }
0x75: {  	_ =	shalt  }
0x76: {  	_ =	shalt  }
0x77: {  	_ =	shalt  }
0x78: {  	_ =	shalt  }
0x79: {  	_ =	shalt  }
0x7a: {  	_ =	shalt  }
0x7b: {  	_ =	shalt  }
0x7c: {  	_ =	shalt  }
0x7d: {  	_ =	shalt  }
0x7e: {  	_ =	shalt  }
0x7f: {  	_ =	shalt  }
0x80: {  	_ =	shalt  }
0x81: {  	_ =	shalt  }
0x82: {  	_ =	shalt  }
0x83: {  	_ =	shalt  }
0x84: {  	_ =	shalt  }
0x85: {  	_ =	shalt  }
0x86: {  	_ =	shalt  }
0x87: {  	_ =	shalt  }
.Lfunc_end0:
.L_simem_size_0:
called_computation_lowered:
.L_overlay_start_0:
0x88: {  	s2 =	sld [smem:$0x3FD9]  }
0x89: {  	s3 =	sld [smem:$0x3FFE];
	_ =	sdelay $0x1  }
0x8a: {  	s1 =	srdreg.scid  }
0x8b: {  	s0 =	sand.u32 $0x1, s1  }
0x8c: {  	s14 =	sshll.u32 s0, $0xA;
	s2 =	sadd.s32 s3, s2  }
0x8d: {  	s2 =	sadd.s32 s2, s14  }
0x8e: {  	[smem:$0x3FC6] =	sst s2  }
0x8f: {  	_ = 	snop  }
0x90: {  	s2 =	sld [smem:$0x3FD0];
	_ =	sdelay $0x2  }
0x91: {  	s15 =	simm.s32 $0xA;
	s4 =	simm.s32 $0x10  }
0x92: {  	[smem:s4], [sflag:s15] =	dma.local [hbm:s2], $0x1  }
0x93: {  	_ =	swait.eq [sflag:s15], $0x1  }
0x94: {  	[sflag:s15] =	ssyncset.done $0x0  }
0x95: {  	[sflag:s15] =	ssyncadd.s32 $0xFFFFFFFF  }
0x96: {  	s16 =	sld [smem:$0x11];
	(tm) =	ssettm $0x1  }
0x97: {  	s17 =	sld [smem:$0x3FFB];
	_ =	sdelay $0x3  }
0x98: {  	_ =	strace s17  }
0x99: {  	s3 =	sld [smem:$0x3FFC];
	_ =	sdelay $0x3  }
0x9a: {  	_ =	strace s3  }
0x9b: {  	s3 =	sld [smem:$0x3FFD];
	_ =	sdelay $0x3  }
0x9c: {  	_ =	strace s3  }
0x9d: {  	_ =	strace $0x8FFFFFFF  }
0x9e: {  	s18 =	sld [smem:$0x3FDB];
	_ =	sdelay $0x1  }
0x9f: {  	s19 =	simm.s32 $_scs_section_size  }
0xa0: {  	s5 =	simm.s32 $_size__tile_overlayer_lowered;
	s6 =	simm.s32 $_tile_overlayer_lowered  }
0xa1: {  	s22 =	simm.s32 $0x1BFF;
	s21 =	sshll.u32 s6, $0x1;
	s3 =	sadd.s32 s19, s18  }
0xa2: {  	s7 =	simm.s32 $0x0;
	s20 =	sshll.u32 s5, $0x1;
	s5 =	sadd.s32 s21, s3  }
0xa3: {  	[timem:s7], [sflag:s22] =	dma.local [hbm:s5], s20  }
0xa4: {  	_ =	swait.ge [sflag:s22], s20  }
0xa5: {  	s4 =	ssub.s32 $0x0, s20;
	[sflag:s22] =	ssyncset.done $0x0  }
0xa6: {  	[sflag:s22] =	ssyncadd.s32 s4;
	_ =	sdelay $0x1  }
0xa7: {  	s23 =	simm.s32 $0x1B8B  }
0xa8: {  	_ =	swait.ge [sflag:s23], $0x1  }
0xa9: {  	[sflag:s23] =	ssyncset.done $0x0  }
0xaa: {  	s25 =	simm.s32 $0x1B8E;
	s24 =	sld [smem:$0x3FFE];
	[sflag:s23] =	ssyncadd.s32 $0xFFFFFFFF  }
0xab: {  	s26 =	simm.s32 $execute0_lowered;
	[smem:$0x3FD2] =	sst s25  }
0xac: {  	s5 =	sshll.u32 s26, $0x1;
	_ =	strace $0x80000046;
	[dreg:$0x1] =	wrdreg $0xFFFFFFFF  }
0xad: {  	s28 =	simm.s32 $_size_execute0_lowered;
	s3 =	sadd.s32 s3, s5;
	[dreg:$0x0] =	wrdreg $0x0  }
0xae: {  	s5 =	sshll.u32 s28, $0x1;
	[dreg:$0x2] =	wrdreg s3  }
0xaf: {  	[dreg:$0x3] =	wrdreg s5  }
0xb0: {  	[dreg:$0x4] =	wrdreg $0xC0  }
0xb1: {  	_ =	task [dreg:s7], $0x5FFFF  }
0xb2: {  	[dreg:$0x1] =	wrdreg $0xFFFFFFFF  }
0xb3: {  	[dreg:$0x0] =	wrdreg $0x60  }
0xb4: {  	[dreg:$0x2] =	wrdreg s24  }
0xb5: {  	[dreg:$0x3] =	wrdreg s16  }
0xb6: {  	[dreg:$0x4] =	wrdreg $0x9  }
0xb7: {  	_ =	task.clear_ibuf [dreg:s7], $0x5FFFF;
	_ =	strace $0x90000046  }
0xb8: {  	s29 =	simm.s32 $0x9;
	_ =	strace $0x80000048  }
0xb9: {  	_ =	swait.ge [sflag:s29], $0x1  }
0xba: {  	[sflag:s29] =	ssyncadd.s32 $0xFFFFFFFF  }
0xbb: {  	_ =	strace $0x90000048  }
0xbc: {  	_ =	sfence  }
0xbd: {  	s30 =	sld [smem:$0x0];
	_ =	sdelay $0x2  }
0xbe: {  	s31 =	sshll.u32 s1, $0xD;
	s1 =	sshrl.u32 s1, $0x2  }
0xbf: {  	s3 =	sand.u32 $0x4000, s31;
	s1 =	sadd.s32 s1, s30  }
0xc0: {  	s0 =	sor.u32 s3, s0;
	s1 =	sshll.u32 s1, $0x11  }
0xc1: {  	s0 =	sor.u32 s1, s0  }
0xc2: {  	s0 =	sadd.s32 $0x8F2B, s0  }
0xc3: {  	[sflag:s0] =	ssyncadd.remote.s32 $0x1  }
0xc4: {  	_ =	sfence.sel $0xFFFF  }
0xc5: {  	[dreg:$0x0] =	wrdreg $0xFFFFFFFF;
	(pc) =	sbr.abs _section_cstart, $3  }
0xc6: {  	[dreg:$0x1] =	wrdreg $0xFFFFFFFF  }
0xc7: {  	_ =	task.clear_ibuf [dreg:s7], $0x2FFFF;
	_ =	strace $0x9FFFFFFF  }
0xc8: {  	(tm) =	ssettm $0x7FFFFFFF  }
0xc9: {  	_ =	shalt  }
tec
execute0_lowered:
.L_overlay_start_1:
0x0: {  	(tag) =	ssettag $0x1  }
0x1: {  	s3 =	rddreg [dreg:$0x0]  }
0x2: {  	s4 =	rddreg [dreg:$0x1];
	s5 =	srdreg.scid  }
0x3: {  	s1 =	stileid.u32;
	s2 =	simm.s32 $0x0;
	s10 =	simm.s32 $0x1000  }
0x4: {  	s11 =	simm.s32 $0x20000;
	s12 =	simm.s32 $0x1;
	s13 =	simm.s32 $0x2000  }
0x5: {  	s14 =	simm.s32 $0x2;
	s15 =	simm.s32 $0x2200;
	s16 =	simm.s32 $0x2400  }
0x6: {  	s17 =	simm.s32 $0x2600;
	s18 =	simm.s32 $0x2800;
	s19 =	simm.s32 $0x0  }
0x7: {  	s5 =	sand.u32 $0x1, s5;
	s6 =	sshll.u32 s1, $0x1;
	[smem:$0x7FF] =	sst s2  }
0x8: {  	s6 =	sor.u32 s5, s6;
	_ =	strace $0x80000047;
	s5 =	ssub.s32 $0x2, s5  }
0x9: {  	s7 =	sshll.u32 s6, $0x6;
	s9 =	sshrl.u32 s5, $0x1;
	s6 =	sshll.u32 s6, $0x9  }
0xa: {  	s8 =	sadd.s32 s7, s3;
	s9 =	ssub.s32 s5, s9;
	s3 =	sadd.s32 s3, s6  }
0xb: {  	s4 =	sadd.s32 s4, s7;
	s5 =	sadd.s32 $0xC000, s8;
	s6 =	sadd.s32 $0xC800, s8  }
0xc: {  	v0 =	vimm.s32 $0x0;
	v1 =	vimm.f32 $0.0e+00;
	s7 =	sadd.s32 $0xD000, s8;
	s8 =	sadd.s32 $0x8000, s3;
	s9 =	smax.u32 s9, $0x1  }
.LBB2_1:
0xd: {  	[tilespmem:s2], [sflag:$0x1] =	stream.strided.gather [hbm4b:s3+s10], $0x2000, s11, s10, $0x38;
	[tilespmem:$0x3800] =	vst v63  }
0xe: {  	_ =	swait.ge [sflag:s12], $0x2000  }
0xf: {  	s20 =	sand.u32 $0x70, s2;
	s21 =	sand.u32 $0xC00, s2;
	[sflag:s12] =	ssyncset.done $0x0  }
0x10: {  	s20 =	sor.u32 s20, s21;
	[sflag:s12] =	ssyncadd.s32 $0xFFFFE000  }
0x11: {  	v2 =	vld [tilespmem:s20+$0x0]  }
0x12: {  	v3 =	vld [tilespmem:s20+$0x80];
	_ =	sdelay $0x1  }
0x13: {  	v4 =	vld [tilespmem:s20+$0x100];
	_ =	sdelay $0x1  }
0x14: {  	v8 =	vld [tilespmem:s20+$0x180]  }
0x15: {  	vm0 =	vgt.f32 v3, v2  }
0x16: {  	v9 =	vld [tilespmem:s20+$0x200];
	v5 =	vsel vm0, v3, v2  }
0x17: {  	vm1 =	vgt.f32 v4, v5  }
0x18: {  	v7 =	vld [tilespmem:s20+$0x280];
	v5 =	vsel vm1, v4, v5  }
0x19: {  	vm2 =	vgt.f32 v8, v5  }
0x1a: {  	v6 =	vld [tilespmem:s20+$0x300];
	v5 =	vsel vm2, v8, v5  }
0x1b: {  	vm3 =	vgt.f32 v9, v5  }
0x1c: {  	v10 =	vld [tilespmem:s20+$0x380];
	v5 =	vsel vm3, v9, v5  }
0x1d: {  	vm4 =	vgt.f32 v7, v5  }
0x1e: {  	v12 =	vld [tilespmem:s20+$0x1000];
	v5 =	vsel vm4, v7, v5  }
0x1f: {  	vm5 =	vgt.f32 v6, v5  }
0x20: {  	v17 =	vld [tilespmem:s20+$0x1080];
	v5 =	vsel vm5, v6, v5  }
0x21: {  	vm6 =	vgt.f32 v10, v5  }
0x22: {  	v19 =	vld [tilespmem:s20+$0x1100];
	v5 =	vsel vm6, v10, v5  }
0x23: {  	vm7 =	vgt.f32 v12, v5  }
0x24: {  	v20 =	vld [tilespmem:s20+$0x1180];
	v11 =	vsel vm0, $0x1, v0;
	v5 =	vsel vm7, v12, v5  }
0x25: {  	v11 =	vsel vm1, $0x2, v11;
	vm8 =	vgt.f32 v17, v5  }
0x26: {  	v21 =	vld [tilespmem:s20+$0x1200];
	v11 =	vsel vm2, $0x3, v11;
	v5 =	vsel vm8, v17, v5  }
0x27: {  	v11 =	vsel vm3, $0x4, v11;
	vm9 =	vgt.f32 v19, v5  }
0x28: {  	v22 =	vld [tilespmem:s20+$0x1280];
	v11 =	vsel vm4, $0x5, v11;
	v5 =	vsel vm9, v19, v5  }
0x29: {  	v11 =	vsel vm5, $0x6, v11;
	vm10 =	vgt.f32 v20, v5  }
0x2a: {  	v23 =	vld [tilespmem:s20+$0x1300];
	v11 =	vsel vm6, $0x7, v11;
	v5 =	vsel vm10, v20, v5  }
0x2b: {  	v11 =	vsel vm7, $0x8, v11;
	vm11 =	vgt.f32 v21, v5  }
0x2c: {  	v24 =	vld [tilespmem:s20+$0x1380];
	v11 =	vsel vm8, $0x9, v11;
	v5 =	vsel vm11, v21, v5  }
0x2d: {  	v11 =	vsel vm9, $0xA, v11;
	vm12 =	vgt.f32 v22, v5  }
0x2e: {  	v11 =	vsel vm10, $0xB, v11;
	v5 =	vsel vm12, v22, v5  }
0x2f: {  	v11 =	vsel vm11, $0xC, v11;
	vm13 =	vgt.f32 v23, v5  }
0x30: {  	v11 =	vsel vm12, $0xD, v11;
	v25 =	vsel vm13, v23, v5  }
0x31: {  	v5 =	vsel vm13, $0xE, v11;
	vm10 =	vgt.f32 v24, v25  }
0x32: {  	vm14 =	vlt.f32 v2, $-Inf;
	vm15 =	vgt.f32 v2, $-Inf;
	v18 =	vsel vm10, $0xF, v5  }
0x33: {  	vm0 =	vmor vm15, vm14;
	vm4 =	vne.s32 v18, $0x0  }
0x34: {  	vm0 =	vmand vm0, vm4  }
0x35: {  	v5 =	vnsel vm0, $0xFF800000, v2  }
0x36: {  	vm5 =	vne.s32 v18, $0x1;
	vm6 =	vgt.f32 v3, v5  }
0x37: {  	vm0 =	vmand vm5, vm6  }
0x38: {  	v5 =	vsel vm0, v3, v5  }
0x39: {  	vm7 =	vne.s32 v18, $0x2;
	vm8 =	vgt.f32 v4, v5  }
0x3a: {  	vm1 =	vmand vm7, vm8  }
0x3b: {  	v5 =	vsel vm1, v4, v5  }
0x3c: {  	vm9 =	vne.s32 v18, $0x3;
	vm11 =	vgt.f32 v8, v5  }
0x3d: {  	vm2 =	vmand vm9, vm11  }
0x3e: {  	v5 =	vsel vm2, v8, v5  }
0x3f: {  	vm12 =	vne.s32 v18, $0x4;
	vm13 =	vgt.f32 v9, v5  }
0x40: {  	vm3 =	vmand vm12, vm13  }
0x41: {  	v5 =	vsel vm3, v9, v5  }
0x42: {  	vm14 =	vne.s32 v18, $0x5;
	vm15 =	vgt.f32 v7, v5  }
0x43: {  	vm4 =	vmand vm14, vm15  }
0x44: {  	v11 =	vimm.s32 $0x0;
	v5 =	vsel vm4, v7, v5  }
0x45: {  	v11 =	vsel vm0, $0xFFFFFFFF, v11;
	vm0 =	vne.s32 v18, $0x6;
	vm9 =	vgt.f32 v6, v5  }
0x46: {  	vm5 =	vmand vm0, vm9  }
0x47: {  	[tilespmem:$0x1FFF0] =	vst v11;
	v11 =	vsel vm5, v6, v5  }
0x48: {  	vm11 =	vne.s32 v18, $0x7;
	vm12 =	vgt.f32 v10, v11  }
0x49: {  	v15 =	vadd.f32 v17, v1;
	vm6 =	vmand vm11, vm12  }
0x4a: {  	v16 =	vadd.f32 v19, v1;
	v14 =	vadd.f32 v20, v1;
	v13 =	vsel vm6, v10, v11  }
0x4b: {  	v25 =	vsel vm10, v24, v25;
	vm13 =	vne.s32 v18, $0x8;
	vm8 =	vgt.f32 v12, v13  }
0x4c: {  	vm10 =	veq.s32 v18, $0x0;
	v5 =	vadd.f32 v7, v1;
	vm7 =	vmand vm13, vm8  }
0x4d: {  	v7 =	vadd.f32 v10, v1;
	v10 =	vadd.f32 v4, v1;
	v4 =	vsel vm7, v12, v13  }
0x4e: {  	v36 =	vsel vm10, $0x3F800000, v1;
	vm14 =	vne.s32 v18, $0x9;
	vm9 =	vgt.f32 v17, v4  }
0x4f: {  	v51 =	vadd.f32 v36, v1;
	v8 =	vadd.f32 v8, v1;
	vm8 =	vmand vm14, vm9  }
0x50: {  	v9 =	vadd.f32 v9, v1;
	vm15 =	vne.s32 v18, $0xA;
	v4 =	vsel vm8, v17, v4  }
0x51: {  	vm0 =	veq.s32 v18, $0x1;
	v6 =	vadd.f32 v6, v1;
	vm11 =	vgt.f32 v19, v4  }
0x52: {  	v37 =	vsel vm0, $0x3F800000, v1;
	vm0 =	veq.s32 v18, $0x3;
	vm9 =	vmand vm15, vm11  }
0x53: {  	v50 =	vadd.f32 v37, v1;
	vm12 =	vne.s32 v18, $0xB;
	v4 =	vsel vm9, v19, v4  }
0x54: {  	v11 =	vadd.f32 v12, v1;
	v12 =	vadd.f32 v3, v1;
	vm13 =	vgt.f32 v20, v4  }
0x55: {  	v3 =	vadd.f32 v22, v1;
	vm14 =	veq.s32 v18, $0x2;
	vm10 =	vmand vm12, vm13  }
0x56: {  	v17 =	vadd.f32 v21, v1;
	v27 =	vsel vm14, $0x3F800000, v1;
	v4 =	vsel vm10, v20, v4  }
0x57: {  	vm14 =	vne.s32 v18, $0xD;
	vm12 =	vne.s32 v18, $0xC;
	vm13 =	vgt.f32 v21, v4  }
0x58: {  	v20 =	vsel vm0, $0x3F800000, v1;
	vm0 =	veq.s32 v18, $0x4;
	vm11 =	vmand vm12, vm13  }
0x59: {  	v28 =	vsel vm0, $0x3F800000, v1;
	vm0 =	veq.s32 v18, $0x5;
	v4 =	vsel vm11, v21, v4  }
0x5a: {  	vm13 =	veq.s32 v18, $0xF;
	v21 =	vsel vm0, $0x3F800000, v1;
	vm15 =	vgt.f32 v22, v4  }
0x5b: {  	vm0 =	veq.s32 v18, $0xD;
	v30 =	vsel vm13, $0x3F800000, v1;
	vm12 =	vmand vm14, vm15  }
0x5c: {  	v33 =	vsel vm0, $0x3F800000, v1;
	vm0 =	veq.s32 v18, $0xE;
	v4 =	vsel vm12, v22, v4;
	v22 =	vld [tilespmem:$0x1FFF0]  }
0x5d: {  	vm13 =	vne.s32 v18, $0xE;
	v31 =	vsel vm0, $0x3F800000, v1;
	vm14 =	vgt.f32 v23, v4  }
0x5e: {  	vm0 =	veq.s32 v18, $0xA;
	vm15 =	veq.s32 v18, $0x9;
	vm13 =	vmand vm13, vm14  }
0x5f: {  	v32 =	vsel vm0, $0x3F800000, v1;
	vm14 =	veq.s32 v18, $0x8;
	v19 =	vsel vm13, v23, v4  }
0x60: {  	vm0 =	vne.s32 v18, $0xF;
	v26 =	vsel vm14, $0x3F800000, v1;
	vm14 =	vgt.f32 v24, v19  }
0x61: {  	v29 =	vsel vm15, $0x3F800000, v1;
	vm14 =	vmand vm0, vm14;
	vm15 =	vnez.u8 v22  }
0x62: {  	v13 =	vadd.f32 v2, v1;
	v22 =	vsel vm15, $0x1, v0;
	v35 =	vsel vm14, v24, v19  }
0x63: {  	v2 =	vadd.f32 v23, v1;
	v19 =	vsel vm1, $0x2, v22;
	v22 =	vadd.f32 v35, v25  }
0x64: {  	v28 =	vadd.f32 v28, v1;
	v30 =	vadd.f32 v30, v1;
	v19 =	vsel vm2, $0x3, v19  }
0x65: {  	v33 =	vadd.f32 v33, v1;
	v19 =	vsel vm3, $0x4, v19;
	(erf) = vrcp.f32 v22  }
0x66: {  	v29 =	vadd.f32 v29, v1;
	v32 =	vadd.f32 v32, v1;
	v19 =	vsel vm4, $0x5, v19  }
0x67: {  	v4 =	vadd.f32 v24, v1;
	vm0 =	veq.s32 v18, $0xB;
	v19 =	vsel vm5, $0x6, v19  }
0x68: {  	vm15 =	veq.s32 v18, $0x6;
	v24 =	vsel vm0, $0x3F800000, v1;
	v39 =	vsel vm6, $0x7, v19  }
0x69: {  	v34 =	vsel vm15, $0x3F800000, v1;
	vm15 =	veq.s32 v18, $0xC;
	v62 =	vsel vm7, $0x8, v39  }
0x6a: {  	vm0 =	veq.s32 v18, $0x7;
	v38 =	vsel vm15, $0x3F800000, v1;
	v63 =	vsel vm8, $0x9, v62  }
0x6b: {  	v22 =	vsel vm0, $0x3F800000, v1;
	v19 =	vadd.f32 v38, v1;
	v38 =	vsel vm9, $0xA, v63  }
0x6c: {  	v23 =	vadd.f32 v22, v1;
	v22 =	vadd.f32 v34, v1;
	v38 =	vsel vm10, $0xB, v38  }
0x6d: {  	v34 =	vadd.f32 v31, v1;
	v31 =	vadd.f32 v21, v1;
	v21 =	vsel vm11, $0xC, v38  }
0x6e: {  	v39 =	vadd.f32 v27, v1;
	v27 =	vadd.f32 v20, v1;
	v21 =	vsel vm12, $0xD, v21;
	v20 =	vpop (erf)  }
0x6f: {  	s31 =	simm.s32 $0x10;
	v26 =	vadd.f32 v26, v1;
	v21 =	vsel vm13, $0xE, v21;
	v25 =	vmul.f32 v20, v25  }
0x70: {  	s30 =	simm.s32 $0x20;
	s25 =	simm.s32 $0x80;
	s22 =	simm.s32 $0x2010;
	v24 =	vadd.f32 v24, v1;
	v20 =	vmul.f32 v20, v35;
	v35 =	vsel vm14, $0xF, v21  }
0x71: {  	s23 =	simm.s32 $0x2210;
	s26 =	simm.s32 $0x2400;
	s28 =	simm.s32 $0x2600;
	[tilespmem:s13+$0x0] =	vst v25;
	vm13 =	veq.s32 v35, $0x0;
	vm14 =	veq.s32 v35, $0x1;
	vm15 =	veq.s32 v35, $0x2  }
0x72: {  	s24 =	sand.u32 $0x70, s31;
	s21 =	simm.s32 $0x2610;
	s20 =	simm.s32 $0x2410;
	[tilespmem:s15+$0x0] =	vst v20;
	v54 =	vsel vm13, $0x3F800000, v1;
	v53 =	vsel vm14, $0x3F800000, v1;
	v52 =	vsel vm15, $0x3F800000, v1  }
.LBB2_2:
0x73: {  	s31 =	sand.u32 $0x70, s30;
	[tilespmem:s26+$0x0] =	vst v18;
	s26 =	smov.u32 s30  }
0x74: {  	s0 =	sand.u32 $0xC00, s25;
	v20 =	vadd.f32 v54, v51;
	v21 =	vadd.f32 v53, v50;
	vm0 =	veq.s32 v35, $0xF;
	s29 =	sadd.s32 $0x10, s30;
	s26 =	smov.u32 s20  }
0x75: {  	p0 =	sne.s32 s30, $0x1F0;
	v25 =	vadd.f32 v52, v39;
	vm1 =	veq.s32 v35, $0x3;
	vm2 =	veq.s32 v35, $0x4;
	s30 =	sor.u32 s24, s0;
	s24 =	smov.u32 s31;
	[tilespmem:s28+$0x0] =	vst v35  }
0x76: {  	v18 =	vsel vm1, $0x3F800000, v1;
	vm1 =	veq.s32 v35, $0xD;
	v36 =	vsel vm0, $0x3F800000, v1;
	s28 =	smov.u32 s21;
	v52 =	vld [tilespmem:s30+$0x0]  }
0x77: {  	vm3 =	veq.s32 v35, $0xC;
	v37 =	vsel vm2, $0x3F800000, v1;
	vm2 =	veq.s32 v35, $0x5;
	v53 =	vld [tilespmem:s30+$0x80]  }
0x78: {  	vm4 =	veq.s32 v35, $0xE;
	vm0 =	veq.s32 v35, $0xB;
	v27 =	vadd.f32 v18, v27;
	v46 =	vld [tilespmem:s30+$0x100]  }
0x79: {  	v28 =	vadd.f32 v37, v28;
	v18 =	vsel vm2, $0x3F800000, v1;
	vm2 =	veq.s32 v35, $0xA  }
0x7a: {  	vm5 =	veq.s32 v35, $0x7;
	vm6 =	veq.s32 v35, $0x9;
	v37 =	vsel vm4, $0x3F800000, v1;
	v44 =	vld [tilespmem:s30+$0x180]  }
0x7b: {  	vm4 =	veq.s32 v35, $0x8;
	v38 =	vsel vm1, $0x3F800000, v1;
	v30 =	vadd.f32 v36, v30  }
0x7c: {  	v31 =	vadd.f32 v18, v31;
	v18 =	vsel vm3, $0x3F800000, v1;
	v41 =	vld [tilespmem:s30+$0x200];
	vm1 =	vgt.f32 v53, v52  }
0x7d: {  	v40 =	vsel vm2, $0x3F800000, v1;
	v33 =	vadd.f32 v38, v33;
	v36 =	vsel vm1, v53, v52  }
0x7e: {  	vm7 =	veq.s32 v35, $0x6;
	v35 =	vsel vm4, $0x3F800000, v1;
	v39 =	vld [tilespmem:s30+$0x280];
	vm2 =	vgt.f32 v46, v36  }
0x7f: {  	v42 =	vsel vm6, $0x3F800000, v1;
	v34 =	vadd.f32 v37, v34;
	v36 =	vsel vm2, v46, v36  }
0x80: {  	v37 =	vsel vm5, $0x3F800000, v1;
	v32 =	vadd.f32 v40, v32;
	v38 =	vld [tilespmem:s30+$0x300];
	vm3 =	vgt.f32 v44, v36  }
0x81: {  	v43 =	vsel vm7, $0x3F800000, v1;
	v29 =	vadd.f32 v42, v29;
	v36 =	vsel vm3, v44, v36  }
0x82: {  	v26 =	vadd.f32 v35, v26;
	v35 =	vsel vm0, $0x3F800000, v1;
	v40 =	vld [tilespmem:s30+$0x380];
	vm4 =	vgt.f32 v41, v36  }
0x83: {  	v23 =	vadd.f32 v37, v23;
	v24 =	vadd.f32 v35, v24;
	v36 =	vsel vm4, v41, v36  }
0x84: {  	v22 =	vadd.f32 v43, v22;
	v19 =	vadd.f32 v18, v19;
	v42 =	vld [tilespmem:s30+$0x1000];
	vm5 =	vgt.f32 v39, v36  }
0x85: {  	vm0 =	vlt.f32 v52, $-Inf;
	vm7 =	vgt.f32 v52, $-Inf;
	v18 =	vsel vm5, v39, v36  }
0x86: {  	vm0 =	vmor vm7, vm0;
	v6 =	vadd.f32 v38, v6;
	v43 =	vld [tilespmem:s30+$0x1080];
	vm6 =	vgt.f32 v38, v18  }
0x87: {  	v5 =	vadd.f32 v39, v5;
	v18 =	vsel vm6, v38, v18;
	v7 =	vadd.f32 v40, v7  }
0x88: {  	v8 =	vadd.f32 v44, v8;
	v9 =	vadd.f32 v41, v9;
	v45 =	vld [tilespmem:s30+$0x1100];
	vm7 =	vgt.f32 v40, v18  }
0x89: {  	v10 =	vadd.f32 v46, v10;
	v18 =	vsel vm7, v40, v18;
	v11 =	vadd.f32 v42, v11  }
0x8a: {  	v12 =	vadd.f32 v53, v12;
	v35 =	vsel vm1, $0x1, v0;
	v47 =	vld [tilespmem:s30+$0x1180];
	vm1 =	vgt.f32 v42, v18  }
0x8b: {  	v35 =	vsel vm2, $0x2, v35;
	v18 =	vsel vm1, v42, v18;
	v15 =	vadd.f32 v43, v15  }
0x8c: {  	v13 =	vadd.f32 v52, v13;
	v35 =	vsel vm3, $0x3, v35;
	v48 =	vld [tilespmem:s30+$0x1200];
	vm2 =	vgt.f32 v43, v18  }
0x8d: {  	v35 =	vsel vm4, $0x4, v35;
	v18 =	vsel vm2, v43, v18;
	v16 =	vadd.f32 v45, v16  }
0x8e: {  	v35 =	vsel vm5, $0x5, v35;
	v49 =	vld [tilespmem:s30+$0x1280];
	vm3 =	vgt.f32 v45, v18  }
0x8f: {  	v35 =	vsel vm6, $0x6, v35;
	v18 =	vsel vm3, v45, v18;
	v14 =	vadd.f32 v47, v14  }
0x90: {  	v35 =	vsel vm7, $0x7, v35;
	v50 =	vld [tilespmem:s30+$0x1300];
	vm4 =	vgt.f32 v47, v18  }
0x91: {  	v35 =	vsel vm1, $0x8, v35;
	v18 =	vsel vm4, v47, v18;
	v17 =	vadd.f32 v48, v17  }
0x92: {  	v35 =	vsel vm2, $0x9, v35;
	v51 =	vld [tilespmem:s30+$0x1380];
	vm1 =	vgt.f32 v48, v18  }
0x93: {  	v35 =	vsel vm3, $0xA, v35;
	v18 =	vsel vm1, v48, v18;
	v3 =	vadd.f32 v49, v3  }
0x94: {  	v35 =	vsel vm4, $0xB, v35;
	vm2 =	vgt.f32 v49, v18  }
0x95: {  	v35 =	vsel vm1, $0xC, v35;
	v18 =	vsel vm2, v49, v18;
	v2 =	vadd.f32 v50, v2  }
0x96: {  	v35 =	vsel vm2, $0xD, v35;
	vm1 =	vgt.f32 v50, v18  }
0x97: {  	v18 =	vsel vm1, v50, v18;
	v36 =	vsel vm1, $0xE, v35;
	v4 =	vadd.f32 v51, v4  }
0x98: {  	vm1 =	vgt.f32 v51, v18  }
0x99: {  	v35 =	vsel vm1, v51, v18;
	v18 =	vsel vm1, $0xF, v36  }
0x9a: {  	vm1 =	vne.s32 v18, $0x0;
	vm2 =	veq.s32 v18, $0x0;
	vm3 =	veq.s32 v18, $0x1  }
0x9b: {  	vm0 =	vmand vm0, vm1;
	v36 =	vsel vm2, $0x3F800000, v1;
	v37 =	vsel vm3, $0x3F800000, v1  }
0x9c: {  	vm1 =	veq.s32 v18, $0x2;
	v55 =	vnsel vm0, $0xFF800000, v52;
	vm0 =	vne.s32 v18, $0x1  }
0x9d: {  	v52 =	vsel vm1, $0x3F800000, v1;
	vm1 =	veq.s32 v18, $0x3;
	vm2 =	vgt.f32 v53, v55  }
0x9e: {  	v54 =	vsel vm1, $0x3F800000, v1;
	vm1 =	veq.s32 v18, $0x4;
	vm0 =	vmand vm0, vm2  }
0x9f: {  	vm2 =	vne.s32 v18, $0x2;
	v57 =	vsel vm0, v53, v55;
	v53 =	vsel vm1, $0x3F800000, v1  }
0xa0: {  	vm4 =	veq.s32 v18, $0xF;
	vm3 =	veq.s32 v18, $0x5;
	vm1 =	vgt.f32 v46, v57  }
0xa1: {  	v56 =	vsel vm3, $0x3F800000, v1;
	v55 =	vsel vm4, $0x3F800000, v1;
	vm1 =	vmand vm2, vm1  }
0xa2: {  	vm3 =	veq.s32 v18, $0xD;
	vm2 =	vne.s32 v18, $0x3;
	v57 =	vsel vm1, v46, v57  }
0xa3: {  	v46 =	vsel vm3, $0x3F800000, v1;
	vm3 =	veq.s32 v18, $0xE;
	vm4 =	vgt.f32 v44, v57  }
0xa4: {  	v58 =	vsel vm3, $0x3F800000, v1;
	vm2 =	vmand vm2, vm4;
	vm4 =	veq.s32 v18, $0xA  }
0xa5: {  	vm3 =	vne.s32 v18, $0x4;
	v44 =	vsel vm2, v44, v57;
	v57 =	vsel vm4, $0x3F800000, v1  }
0xa6: {  	vm5 =	veq.s32 v18, $0x8;
	vm6 =	veq.s32 v18, $0x9;
	vm4 =	vgt.f32 v41, v44  }
0xa7: {  	v59 =	vsel vm5, $0x3F800000, v1;
	v60 =	vsel vm6, $0x3F800000, v1;
	vm3 =	vmand vm3, vm4  }
0xa8: {  	vm5 =	veq.s32 v18, $0xB;
	vm4 =	vne.s32 v18, $0x5;
	v41 =	vsel vm3, v41, v44  }
0xa9: {  	vm7 =	veq.s32 v18, $0x6;
	v44 =	vsel vm5, $0x3F800000, v1;
	vm6 =	vgt.f32 v39, v41  }
0xaa: {  	v61 =	vsel vm7, $0x3F800000, v1;
	vm5 =	veq.s32 v18, $0x7;
	vm4 =	vmand vm4, vm6  }
0xab: {  	vm6 =	vne.s32 v18, $0x6;
	v39 =	vsel vm4, v39, v41;
	v41 =	vsel vm5, $0x3F800000, v1  }
0xac: {  	vm7 =	veq.s32 v18, $0xC;
	vm5 =	vgt.f32 v38, v39  }
0xad: {  	v62 =	vsel vm7, $0x3F800000, v1;
	vm5 =	vmand vm6, vm5  }
0xae: {  	vm6 =	vne.s32 v18, $0x7;
	v38 =	vsel vm5, v38, v39  }
0xaf: {  	vm7 =	vgt.f32 v40, v38  }
0xb0: {  	vm6 =	vmand vm6, vm7  }
0xb1: {  	vm7 =	vne.s32 v18, $0x8;
	v38 =	vsel vm6, v40, v38  }
0xb2: {  	vm8 =	vgt.f32 v42, v38  }
0xb3: {  	vm7 =	vmand vm7, vm8  }
0xb4: {  	vm8 =	vne.s32 v18, $0x9;
	v38 =	vsel vm7, v42, v38  }
0xb5: {  	vm9 =	vgt.f32 v43, v38  }
0xb6: {  	vm8 =	vmand vm8, vm9  }
0xb7: {  	vm9 =	vne.s32 v18, $0xA;
	v38 =	vsel vm8, v43, v38  }
0xb8: {  	vm10 =	vgt.f32 v45, v38  }
0xb9: {  	vm9 =	vmand vm9, vm10  }
0xba: {  	vm10 =	vne.s32 v18, $0xB;
	v38 =	vsel vm9, v45, v38  }
0xbb: {  	vm11 =	vgt.f32 v47, v38  }
0xbc: {  	vm10 =	vmand vm10, vm11  }
0xbd: {  	vm11 =	vne.s32 v18, $0xC;
	v38 =	vsel vm10, v47, v38  }
0xbe: {  	vm12 =	vgt.f32 v48, v38  }
0xbf: {  	vm11 =	vmand vm11, vm12  }
0xc0: {  	vm12 =	vne.s32 v18, $0xD;
	v38 =	vsel vm11, v48, v38  }
0xc1: {  	vm13 =	vgt.f32 v49, v38  }
0xc2: {  	vm12 =	vmand vm12, vm13  }
0xc3: {  	vm13 =	vne.s32 v18, $0xE;
	v38 =	vsel vm12, v49, v38  }
0xc4: {  	vm14 =	vgt.f32 v50, v38  }
0xc5: {  	vm13 =	vmand vm13, vm14  }
0xc6: {  	vm14 =	vne.s32 v18, $0xF;
	v38 =	vsel vm13, v50, v38  }
0xc7: {  	vm15 =	vgt.f32 v51, v38  }
0xc8: {  	vm14 =	vmand vm14, vm15  }
0xc9: {  	v39 =	vsel vm0, $0x1, v0;
	v38 =	vsel vm14, v51, v38  }
0xca: {  	v39 =	vsel vm1, $0x2, v39;
	v40 =	vadd.f32 v38, v35  }
0xcb: {  	v39 =	vsel vm2, $0x3, v39  }
0xcc: {  	v39 =	vsel vm3, $0x4, v39;
	(erf) = vrcp.f32 v40  }
0xcd: {  	v39 =	vsel vm4, $0x5, v39  }
0xce: {  	v39 =	vsel vm5, $0x6, v39  }
0xcf: {  	v19 =	vadd.f32 v62, v19;
	v23 =	vadd.f32 v41, v23;
	v39 =	vsel vm6, $0x7, v39  }
0xd0: {  	v22 =	vadd.f32 v61, v22;
	v24 =	vadd.f32 v44, v24;
	v39 =	vsel vm7, $0x8, v39  }
0xd1: {  	v26 =	vadd.f32 v59, v26;
	v29 =	vadd.f32 v60, v29;
	v39 =	vsel vm8, $0x9, v39  }
0xd2: {  	v34 =	vadd.f32 v58, v34;
	v32 =	vadd.f32 v57, v32;
	v39 =	vsel vm9, $0xA, v39  }
0xd3: {  	v31 =	vadd.f32 v56, v31;
	v33 =	vadd.f32 v46, v33;
	v39 =	vsel vm10, $0xB, v39  }
0xd4: {  	v28 =	vadd.f32 v53, v28;
	v30 =	vadd.f32 v55, v30;
	v39 =	vsel vm11, $0xC, v39  }
.Ltmp0:
0xd5: {  	v27 =	vadd.f32 v54, v27;
	v40 =	vsel vm12, $0xD, v39;
	v39 =	vadd.f32 v52, v25;
	v25 =	vpop (erf);
	(pc) =	sbr.rel @p0 .LBB2_2-.Ltmp0, $4  }
0xd6: {  	v40 =	vsel vm13, $0xE, v40;
	v41 =	vmul.f32 v25, v35;
	v25 =	vmul.f32 v25, v38  }
0xd7: {  	v50 =	vadd.f32 v37, v21;
	v51 =	vadd.f32 v36, v20;
	v35 =	vsel vm14, $0xF, v40  }
0xd8: {  	s25 =	sadd.s32 $0x80, s25;
	s20 =	sadd.s32 $0x10, s20;
	s21 =	sadd.s32 $0x10, s21;
	vm0 =	veq.s32 v35, $0x0;
	vm1 =	veq.s32 v35, $0x1;
	vm2 =	veq.s32 v35, $0x2;
	[tilespmem:s22+$0x0] =	vst v41  }
0xd9: {  	s30 =	smov.u32 s29;
	v54 =	vsel vm0, $0x3F800000, v1;
	v53 =	vsel vm1, $0x3F800000, v1;
	v52 =	vsel vm2, $0x3F800000, v1;
	s22 =	sadd.s32 $0x10, s22;
	[tilespmem:s23+$0x0] =	vst v25;
	s23 =	sadd.s32 $0x10, s23  }
0xda: {  	s0 =	sand.u32 $0xC00, s25;
	[tilespmem:s26+$0x0] =	vst v18  }
0xdb: {  	s0 =	sor.u32 s24, s0;
	[tilespmem:s28+$0x0] =	vst v35  }
0xdc: {  	v36 =	vld [tilespmem:s0+$0x0]  }
0xdd: {  	v37 =	vld [tilespmem:s0+$0x80];
	_ =	sdelay $0x1  }
0xde: {  	v38 =	vld [tilespmem:s0+$0x100];
	_ =	sdelay $0x1  }
0xdf: {  	v40 =	vld [tilespmem:s0+$0x180]  }
0xe0: {  	vm0 =	vgt.f32 v37, v36  }
0xe1: {  	v41 =	vld [tilespmem:s0+$0x200];
	v58 =	vsel vm0, v37, v36  }
0xe2: {  	vm1 =	vgt.f32 v38, v58  }
0xe3: {  	v42 =	vld [tilespmem:s0+$0x280];
	v18 =	vsel vm1, v38, v58  }
0xe4: {  	vm2 =	vgt.f32 v40, v18  }
0xe5: {  	v47 =	vld [tilespmem:s0+$0x300];
	v18 =	vsel vm2, v40, v18  }
0xe6: {  	vm3 =	vgt.f32 v41, v18  }
0xe7: {  	v48 =	vld [tilespmem:s0+$0x380];
	v18 =	vsel vm3, v41, v18  }
0xe8: {  	vm4 =	vgt.f32 v42, v18  }
0xe9: {  	v43 =	vld [tilespmem:s0+$0x1000];
	v18 =	vsel vm4, v42, v18  }
0xea: {  	vm5 =	vgt.f32 v47, v18  }
0xeb: {  	v44 =	vld [tilespmem:s0+$0x1080];
	v18 =	vsel vm5, v47, v18  }
0xec: {  	vm6 =	vgt.f32 v48, v18  }
0xed: {  	v45 =	vld [tilespmem:s0+$0x1100];
	v18 =	vsel vm6, v48, v18  }
0xee: {  	vm7 =	vgt.f32 v43, v18  }
0xef: {  	v46 =	vld [tilespmem:s0+$0x1180];
	v20 =	vsel vm0, $0x1, v0;
	v18 =	vsel vm7, v43, v18  }
0xf0: {  	v20 =	vsel vm1, $0x2, v20;
	vm10 =	vgt.f32 v44, v18  }
0xf1: {  	v49 =	vld [tilespmem:s0+$0x1200];
	v20 =	vsel vm2, $0x3, v20;
	v18 =	vsel vm10, v44, v18  }
0xf2: {  	v20 =	vsel vm3, $0x4, v20;
	vm11 =	vgt.f32 v45, v18  }
0xf3: {  	v21 =	vld [tilespmem:s0+$0x1280];
	v20 =	vsel vm4, $0x5, v20;
	v25 =	vsel vm11, v45, v18  }
0xf4: {  	v20 =	vsel vm5, $0x6, v20;
	vm12 =	vgt.f32 v46, v25  }
0xf5: {  	v20 =	vsel vm6, $0x7, v20;
	v18 =	vld [tilespmem:s0+$0x1300];
	v25 =	vsel vm12, v46, v25  }
0xf6: {  	v55 =	vsel vm7, $0x8, v20;
	vm13 =	vgt.f32 v49, v25  }
0xf7: {  	v20 =	vld [tilespmem:s0+$0x1380];
	v55 =	vsel vm10, $0x9, v55;
	v25 =	vsel vm13, v49, v25  }
0xf8: {  	v55 =	vsel vm11, $0xA, v55;
	vm14 =	vgt.f32 v21, v25  }
0xf9: {  	v55 =	vsel vm12, $0xB, v55;
	v25 =	vsel vm14, v21, v25  }
0xfa: {  	v55 =	vsel vm13, $0xC, v55;
	vm15 =	vgt.f32 v18, v25  }
0xfb: {  	v55 =	vsel vm14, $0xD, v55;
	v56 =	vsel vm15, v18, v25  }
0xfc: {  	v59 =	vsel vm15, $0xE, v55;
	vm4 =	vgt.f32 v20, v56  }
0xfd: {  	vm5 =	vlt.f32 v36, $-Inf;
	vm6 =	vgt.f32 v36, $-Inf;
	v25 =	vsel vm4, $0xF, v59  }
0xfe: {  	vm1 =	vmor vm6, vm5;
	vm7 =	vne.s32 v25, $0x0  }
0xff: {  	vm1 =	vmand vm1, vm7  }
0x100: {  	v61 =	vnsel vm1, $0xFF800000, v36  }
0x101: {  	v60 =	vimm.s32 $0x0;
	vm8 =	vne.s32 v25, $0x1;
	vm9 =	vgt.f32 v37, v61  }
0x102: {  	v55 =	vsel vm4, $0xFFFFFFFF, v60;
	vm5 =	vmand vm8, vm9  }
0x103: {  	[tilespmem:$0x1FFE0] =	vst v55;
	v55 =	vsel vm5, v37, v61  }
0x104: {  	vm10 =	vne.s32 v25, $0x2;
	vm11 =	vgt.f32 v38, v55  }
0x105: {  	vm7 =	vmand vm10, vm11  }
0x106: {  	v55 =	vsel vm7, v38, v55  }
0x107: {  	vm12 =	vne.s32 v25, $0x3;
	vm13 =	vgt.f32 v40, v55  }
0x108: {  	vm8 =	vmand vm12, vm13  }
0x109: {  	v55 =	vsel vm8, v40, v55  }
0x10a: {  	vm14 =	vne.s32 v25, $0x4;
	vm15 =	vgt.f32 v41, v55  }
0x10b: {  	vm6 =	vmand vm14, vm15  }
0x10c: {  	v55 =	vsel vm6, v41, v55  }
0x10d: {  	vm4 =	vne.s32 v25, $0x5;
	vm9 =	vgt.f32 v42, v55  }
0x10e: {  	vm1 =	vmand vm4, vm9  }
0x10f: {  	v55 =	vsel vm1, v42, v55  }
0x110: {  	vm10 =	vne.s32 v25, $0x6;
	vm11 =	vgt.f32 v47, v55  }
0x111: {  	vm2 =	vmand vm10, vm11  }
0x112: {  	v55 =	vsel vm2, v47, v55  }
0x113: {  	vm12 =	vne.s32 v25, $0x7;
	vm13 =	vgt.f32 v48, v55  }
0x114: {  	vm3 =	vmand vm12, vm13  }
0x115: {  	v55 =	vsel vm3, v48, v55  }
0x116: {  	vm14 =	vne.s32 v25, $0x8;
	vm9 =	vgt.f32 v43, v55  }
0x117: {  	vm4 =	vmand vm14, vm9  }
0x118: {  	v55 =	vsel vm4, v43, v55  }
0x119: {  	vm15 =	vne.s32 v25, $0x9;
	vm10 =	vgt.f32 v44, v55  }
0x11a: {  	v51 =	vadd.f32 v54, v51;
	v50 =	vadd.f32 v53, v50;
	vm9 =	vmand vm15, vm10  }
0x11b: {  	v39 =	vadd.f32 v52, v39;
	v6 =	vadd.f32 v47, v6;
	v62 =	vsel vm9, v44, v55  }
0x11c: {  	v5 =	vadd.f32 v42, v5;
	vm13 =	vne.s32 v25, $0xA;
	vm14 =	vgt.f32 v45, v62  }
0x11d: {  	vm0 =	veq.s32 v35, $0x3;
	vm11 =	veq.s32 v35, $0xF;
	vm10 =	vmand vm13, vm14  }
0x11e: {  	v57 =	vsel vm11, $0x3F800000, v1;
	vm12 =	veq.s32 v35, $0x4;
	v52 =	vsel vm10, v45, v62  }
0x11f: {  	vm11 =	vne.s32 v25, $0xB;
	v58 =	vsel vm12, $0x3F800000, v1;
	vm12 =	vgt.f32 v46, v52  }
0x120: {  	v63 =	vsel vm0, $0x3F800000, v1;
	vm0 =	veq.s32 v35, $0x5;
	vm11 =	vmand vm11, vm12  }
0x121: {  	v53 =	vadd.f32 v63, v27;
	v59 =	vsel vm0, $0x3F800000, v1;
	v52 =	vsel vm11, v46, v52  }
0x122: {  	v27 =	vadd.f32 v57, v30;
	vm12 =	vne.s32 v25, $0xC;
	vm0 =	vgt.f32 v49, v52  }
0x123: {  	v57 =	vadd.f32 v59, v31;
	vm15 =	veq.s32 v35, $0xD;
	vm12 =	vmand vm12, vm0  }
0x124: {  	v55 =	vadd.f32 v58, v28;
	vm14 =	veq.s32 v35, $0xE;
	v61 =	vsel vm12, v49, v52  }
0x125: {  	v59 =	vld [tilespmem:$0x1FFE0];
	vm13 =	vne.s32 v25, $0xD;
	v54 =	vsel vm14, $0x3F800000, v1;
	vm14 =	vgt.f32 v21, v61  }
0x126: {  	v60 =	vsel vm15, $0x3F800000, v1;
	vm0 =	veq.s32 v35, $0xA;
	vm13 =	vmand vm13, vm14  }
0x127: {  	v62 =	vsel vm0, $0x3F800000, v1;
	vm14 =	veq.s32 v35, $0x9;
	v58 =	vsel vm13, v21, v61  }
0x128: {  	vm0 =	vne.s32 v25, $0xE;
	v63 =	vsel vm14, $0x3F800000, v1;
	vm14 =	vgt.f32 v18, v58  }
0x129: {  	v30 =	vadd.f32 v60, v33;
	v31 =	vadd.f32 v62, v32;
	vm14 =	vmand vm0, vm14  }
0x12a: {  	v61 =	vsel vm5, $0x1, v0;
	vm0 =	vnez.u8 v59;
	v60 =	vsel vm14, v18, v58  }
0x12b: {  	v32 =	vsel vm0, v20, v56;
	vm0 =	vne.s32 v25, $0xF;
	vm5 =	vgt.f32 v20, v60  }
0x12c: {  	v7 =	vadd.f32 v48, v7;
	v8 =	vadd.f32 v40, v8;
	vm0 =	vmand vm0, vm5  }
0x12d: {  	v9 =	vadd.f32 v41, v9;
	v28 =	vadd.f32 v54, v34;
	v33 =	vsel vm0, v20, v60  }
0x12e: {  	v29 =	vadd.f32 v63, v29;
	v34 =	vsel vm7, $0x2, v61;
	v63 =	vadd.f32 v33, v32  }
0x12f: {  	v10 =	vadd.f32 v38, v10;
	v11 =	vadd.f32 v43, v11;
	v34 =	vsel vm8, $0x3, v34  }
0x130: {  	v12 =	vadd.f32 v37, v12;
	v34 =	vsel vm6, $0x4, v34;
	(erf) = vrcp.f32 v63  }
0x131: {  	v15 =	vadd.f32 v44, v15;
	v13 =	vadd.f32 v36, v13;
	v34 =	vsel vm1, $0x5, v34  }
0x132: {  	v16 =	vadd.f32 v45, v16;
	v14 =	vadd.f32 v46, v14;
	v34 =	vsel vm2, $0x6, v34  }
0x133: {  	v17 =	vadd.f32 v49, v17;
	v3 =	vadd.f32 v21, v3;
	v34 =	vsel vm3, $0x7, v34  }
0x134: {  	v4 =	vadd.f32 v20, v4;
	v2 =	vadd.f32 v18, v2;
	v34 =	vsel vm4, $0x8, v34  }
0x135: {  	vm15 =	veq.s32 v35, $0xC;
	vm8 =	veq.s32 v25, $0x0;
	v34 =	vsel vm9, $0x9, v34  }
0x136: {  	vm7 =	veq.s32 v35, $0xB;
	v46 =	vsel vm8, $0x3F800000, v1;
	v34 =	vsel vm10, $0xA, v34  }
0x137: {  	v47 =	vadd.f32 v46, v51;
	vm5 =	veq.s32 v35, $0x8;
	v34 =	vsel vm11, $0xB, v34  }
0x138: {  	v62 =	vsel vm5, $0x3F800000, v1;
	vm5 =	veq.s32 v35, $0x7;
	v34 =	vsel vm12, $0xC, v34  }
0x139: {  	v60 =	vsel vm15, $0x3F800000, v1;
	vm15 =	veq.s32 v35, $0x6;
	v34 =	vsel vm13, $0xD, v34;
	v45 =	vpop (erf)  }
0x13a: {  	v26 =	vadd.f32 v62, v26;
	v34 =	vsel vm14, $0xE, v34;
	v32 =	vmul.f32 v45, v32  }
0x13b: {  	v61 =	vsel vm5, $0x3F800000, v1;
	v34 =	vsel vm0, $0xF, v34;
	v33 =	vmul.f32 v45, v33  }
0x13c: {  	v62 =	vsel vm15, $0x3F800000, v1;
	vm9 =	veq.s32 v25, $0x1;
	vm10 =	veq.s32 v34, $0x0;
	[tilespmem:s22+$0x0] =	vst v32  }
0x13d: {  	v48 =	vsel vm9, $0x3F800000, v1;
	vm11 =	veq.s32 v25, $0x2;
	v49 =	vsel vm10, $0x3F800000, v1;
	[tilespmem:s23+$0x0] =	vst v33  }
0x13e: {  	vm12 =	veq.s32 v34, $0x1;
	v32 =	vadd.f32 v48, v50;
	v33 =	vadd.f32 v49, v47;
	[tilespmem:s20+$0x0] =	vst v25  }
0x13f: {  	v19 =	vadd.f32 v60, v19;
	v51 =	vsel vm11, $0x3F800000, v1;
	v52 =	vsel vm12, $0x3F800000, v1;
	[tilespmem:s21+$0x0] =	vst v34  }
0x140: {  	v35 =	vadd.f32 v51, v39;
	vm14 =	veq.s32 v34, $0x2;
	v32 =	vadd.f32 v52, v32;
	[tilespmem:$0x2800] =	vst v33  }
0x141: {  	vm15 =	veq.s32 v25, $0x4;
	v23 =	vadd.f32 v61, v23;
	v56 =	vsel vm14, $0x3F800000, v1;
	[tilespmem:$0x3000] =	vst v13  }
0x142: {  	vm5 =	veq.s32 v25, $0x5;
	v22 =	vadd.f32 v62, v22;
	v59 =	vadd.f32 v56, v35;
	[tilespmem:$0x2880] =	vst v32  }
0x143: {  	v60 =	vsel vm15, $0x3F800000, v1;
	vm15 =	veq.s32 v25, $0xA;
	v63 =	vsel vm7, $0x3F800000, v1;
	[tilespmem:$0x3080] =	vst v12  }
0x144: {  	v62 =	vadd.f32 v60, v55;
	vm7 =	veq.s32 v25, $0x6;
	vm9 =	veq.s32 v25, $0x7;
	[tilespmem:$0x2900] =	vst v59  }
0x145: {  	v24 =	vadd.f32 v63, v24;
	v63 =	vsel vm5, $0x3F800000, v1;
	v38 =	vsel vm7, $0x3F800000, v1;
	[tilespmem:$0x3100] =	vst v10  }
0x146: {  	v41 =	vsel vm9, $0x3F800000, v1;
	vm5 =	veq.s32 v25, $0xB;
	vm7 =	veq.s32 v25, $0xC;
	[tilespmem:$0x3180] =	vst v8  }
0x147: {  	vm9 =	veq.s32 v25, $0xD;
	v37 =	vadd.f32 v63, v57;
	v40 =	vadd.f32 v38, v22;
	[tilespmem:$0x3200] =	vst v9  }
0x148: {  	vm11 =	veq.s32 v25, $0x8;
	v43 =	vadd.f32 v41, v23;
	v55 =	vsel vm7, $0x3F800000, v1;
	[tilespmem:$0x3280] =	vst v5  }
0x149: {  	v57 =	vsel vm9, $0x3F800000, v1;
	vm13 =	veq.s32 v25, $0x3;
	v44 =	vsel vm11, $0x3F800000, v1;
	[tilespmem:$0x3300] =	vst v6  }
0x14a: {  	vm11 =	veq.s32 v25, $0xE;
	v54 =	vsel vm13, $0x3F800000, v1;
	vm13 =	veq.s32 v25, $0x9;
	[tilespmem:$0x3380] =	vst v7  }
0x14b: {  	v46 =	vadd.f32 v44, v26;
	v58 =	vadd.f32 v54, v53;
	v53 =	vsel vm5, $0x3F800000, v1;
	[tilespmem:$0x3400] =	vst v11  }
0x14c: {  	vm4 =	veq.s32 v34, $0x3;
	vm6 =	veq.s32 v34, $0x4;
	vm8 =	veq.s32 v34, $0x5;
	[tilespmem:$0x3480] =	vst v15  }
0x14d: {  	v61 =	vsel vm4, $0x3F800000, v1;
	v36 =	vsel vm6, $0x3F800000, v1;
	v39 =	vsel vm8, $0x3F800000, v1;
	[tilespmem:$0x3500] =	vst v16  }
0x14e: {  	vm10 =	veq.s32 v34, $0x6;
	vm12 =	veq.s32 v34, $0x7;
	vm14 =	veq.s32 v34, $0x8;
	[tilespmem:$0x3580] =	vst v14  }
0x14f: {  	vm4 =	veq.s32 v34, $0x9;
	vm6 =	veq.s32 v34, $0xA;
	vm8 =	veq.s32 v34, $0xB;
	[tilespmem:$0x3600] =	vst v17  }
0x150: {  	v42 =	vsel vm10, $0x3F800000, v1;
	v51 =	vsel vm4, $0x3F800000, v1;
	v54 =	vsel vm6, $0x3F800000, v1;
	[tilespmem:$0x3680] =	vst v3  }
0x151: {  	v56 =	vsel vm8, $0x3F800000, v1;
	vm10 =	veq.s32 v34, $0xC;
	v13 =	vadd.f32 v61, v58;
	[tilespmem:$0x3700] =	vst v2  }
0x152: {  	v45 =	vsel vm12, $0x3F800000, v1;
	v47 =	vsel vm13, $0x3F800000, v1;
	v12 =	vadd.f32 v36, v62;
	[tilespmem:$0x3780] =	vst v4  }
0x153: {  	v48 =	vsel vm14, $0x3F800000, v1;
	v49 =	vadd.f32 v47, v29;
	v10 =	vadd.f32 v39, v37;
	[tilespmem:$0x2980] =	vst v13  }
0x154: {  	vm12 =	veq.s32 v34, $0xD;
	v50 =	vsel vm15, $0x3F800000, v1;
	v5 =	vadd.f32 v48, v46;
	[tilespmem:$0x2A00] =	vst v12  }
0x155: {  	v60 =	vsel vm12, $0x3F800000, v1;
	v52 =	vadd.f32 v50, v31;
	v6 =	vadd.f32 v51, v49;
	[tilespmem:$0x2A80] =	vst v10  }
0x156: {  	vm14 =	veq.s32 v34, $0xE;
	v8 =	vadd.f32 v42, v40;
	[tilespmem:$0x2C00] =	vst v5;
	v5 =	vadd.f32 v53, v24  }
0x157: {  	vm15 =	veq.s32 v34, $0xF;
	v7 =	vadd.f32 v54, v52;
	[tilespmem:$0x2C80] =	vst v6;
	v6 =	vadd.f32 v55, v19  }
0x158: {  	vm13 =	veq.s32 v25, $0xF;
	v58 =	vsel vm10, $0x3F800000, v1;
	[tilespmem:$0x2B00] =	vst v8;
	v5 =	vadd.f32 v56, v5  }
0x159: {  	v59 =	vsel vm11, $0x3F800000, v1;
	[tilespmem:$0x2D00] =	vst v7;
	v7 =	vadd.f32 v57, v30;
	v6 =	vadd.f32 v58, v6  }
0x15a: {  	v9 =	vadd.f32 v45, v43;
	v61 =	vsel vm13, $0x3F800000, v1;
	[tilespmem:$0x2D80] =	vst v5;
	v5 =	vadd.f32 v59, v28  }
0x15b: {  	v62 =	vsel vm14, $0x3F800000, v1;
	v7 =	vadd.f32 v60, v7;
	[tilespmem:$0x2E00] =	vst v6;
	v6 =	vadd.f32 v61, v27  }
0x15c: {  	v63 =	vsel vm15, $0x3F800000, v1;
	[tilespmem:$0x2B80] =	vst v9;
	v5 =	vadd.f32 v62, v5  }
0x15d: {  	[tilespmem:$0x2E80] =	vst v7;
	v3 =	vadd.f32 v63, v6  }
0x15e: {  	[tilespmem:$0x2F00] =	vst v5  }
0x15f: {  	[tilespmem:$0x2F80] =	vst v3  }
0x160: {  	[hbm4b:s4+s2] =	stream.linear.scatter [tilespmem:s13], [sflag:$0x2], $0x200, $0x38;
	[tilespmem:$0x3800] =	vst v63  }
0x161: {  	_ =	swait.ge [sflag:s14], $0x200  }
0x162: {  	[sflag:s14] =	ssyncset.done $0x0  }
0x163: {  	[sflag:s14] =	ssyncadd.s32 $0xFFFFFE00  }
0x164: {  	[hbm4b:s5+s2] =	stream.linear.scatter [tilespmem:s15], [sflag:$0x2], $0x200, $0x38;
	[tilespmem:$0x3800] =	vst v63  }
0x165: {  	_ =	swait.ge [sflag:s14], $0x200  }
0x166: {  	[sflag:s14] =	ssyncset.done $0x0  }
0x167: {  	[sflag:s14] =	ssyncadd.s32 $0xFFFFFE00  }
0x168: {  	[hbm4b:s6+s2] =	stream.linear.scatter [tilespmem:s16], [sflag:$0x2], $0x200, $0x38;
	[tilespmem:$0x3800] =	vst v63  }
0x169: {  	_ =	swait.ge [sflag:s14], $0x200  }
0x16a: {  	[sflag:s14] =	ssyncset.done $0x0  }
0x16b: {  	[sflag:s14] =	ssyncadd.s32 $0xFFFFFE00  }
0x16c: {  	[hbm4b:s7+s2] =	stream.linear.scatter [tilespmem:s17], [sflag:$0x2], $0x200, $0x38;
	[tilespmem:$0x3800] =	vst v63  }
0x16d: {  	s19 =	sadd.s32 $0x1, s19;
	_ =	swait.ge [sflag:s14], $0x200  }
0x16e: {  	p0 =	sne.s32 s19, s9;
	[sflag:s14] =	ssyncset.done $0x0  }
.Ltmp1:
0x16f: {  	[sflag:s14] =	ssyncadd.s32 $0xFFFFFE00;
	(pc) =	sbr.rel @p0 .LBB2_1-.Ltmp1, $4  }
0x170: {  	[hbm4b:s8+s2] =	stream.linear.scatter [tilespmem:s18], [sflag:$0x2], $0x1000, $0x38;
	[tilespmem:$0x3800] =	vst v63  }
0x171: {  	_ =	swait.ge [sflag:s14], $0x1000  }
0x172: {  	[sflag:s14] =	ssyncset.done $0x0  }
0x173: {  	[sflag:s14] =	ssyncadd.s32 $0xFFFFF000  }
0x174: {  	_ =	sfence.sel $0x180000  }
0x175: {  	[bflag:$0x0] =	sbarrier.arrive $0xFFFF  }
0x176: {  	_ =	strace $0x90000047  }
0x177: {  	[bflag:$0x2] =	sbarrier.arrive $0xFFFF  }
0x178: {  	p0 =	sne.s32 s1, $0x0;
	s0 =	rddreg [dreg:$0x2]  }
0x179: {  	s0 =	sadd.s32 @!p0 $0x100000, s0  }
0x17a: {  	[sflag:s0] =	ssyncadd.tile.s32 @!p0 $0x1;
	_ =	shalt  }
.Lfunc_end2:
_tile_overlayer_lowered:
.L_overlay_start_2:
0x17b: {  	(tag) =	ssettag $0x2  }
0x17c: {  	s0 =	rddreg [dreg:$0x0];
	s2 =	stileid.u32  }
0x17d: {  	s1 =	rddreg [dreg:$0x1];
	p0 =	sne.s32 s2, $0x0  }
0x17e: {  	s3 =	rddreg [dreg:$0x2];
	[bflag:$0x3] =	sbarrier.arrive $0xFFFF;
	s2 =	simm.s32 @!p0 $0x1C02  }
0x17f: {  	[timem:s3], [sflag:s2] =	dma.local @!p0 [hbm:s0], s1  }
0x180: {  	s0 =	simm.s32 @!p0 $0x2  }
0x181: {  	_ =	swait.ge @!p0 [sflag:s0], s1  }
0x182: {  	s1 =	ssub.s32 @!p0 $0x0, s1;
	[sflag:s0] =	ssyncset.done @!p0 $0x0  }
0x183: {  	[sflag:s0] =	ssyncadd.s32 @!p0 s1  }
0x184: {  	[bflag:$0x3] =	sbarrier.arrive $0xFFFF  }
0x185: {  	_ =	shalt  }

</sc_bundles>
